<compile_context>
chip_gen: v7x
topology: tpu7x:2x2x1
jax: 0.10.2.dev20260603
libtpu: 0.0.44.dev20260713+nightly
codegen_flags: <defaults>
</compile_context>

<pallas_src>
import functools

import jax
import jax.numpy as jnp
from jax import lax
from jax.experimental import pallas as pl
from jax.experimental.pallas import tpu as pltpu
from jax.experimental.pallas import tpu_sc as plsc

B = 16384
N_SPARSE = 26
DENSE_DIMS = 13
NCOL = N_SPARSE + DENSE_DIMS
VOCAB = 100000
NC = 2
NSUB = 16
NW = NC * NSUB
RPW = B // NW
LANES = 16
CHUNKS = RPW // LANES
HALF = 13
HGROUPS = (0, 5, 9, 13)
HNG = len(HGROUPS) - 1


def _tc_prep_body(rawT_ref, w_ref, idx_ref, densep_ref):
    for f in range(N_SPARSE):
        idx_ref[pl.ds(f * B, B)] = rawT_ref[f, :].astype(jnp.int32) + f * VOCAB
    acc = rawT_ref[N_SPARSE, :] * w_ref[0, 0]
    for d in range(1, DENSE_DIMS):
        acc = acc + rawT_ref[N_SPARSE + d, :] * w_ref[0, d]
    densep_ref[...] = acc


@functools.cache
def _build_tc_prep():
    return pl.pallas_call(
        _tc_prep_body,
        out_shape=(jax.ShapeDtypeStruct((N_SPARSE * B,), jnp.int32),
                   jax.ShapeDtypeStruct((B,), jnp.float32)),
    )


def _sc_gather_half_body(f0, idx_hbm, init_hbm, table_hbm, out_hbm,
                         idxb, vals, outv, sem0, sem1):
    wid = lax.axis_index("s") * NC + lax.axis_index("c")
    base = wid * RPW
    sems = (sem0, sem1)
    idescs = [
        pltpu.async_copy(idx_hbm.at[pl.ds((f0 + f) * B + base, RPW)],
                         idxb.at[pl.ds(f * RPW, RPW)], sem0)
        for f in range(HALF)
    ]
    ind = pltpu.async_copy(init_hbm.at[pl.ds(base, RPW)], outv, sem1)
    for d in idescs:
        d.wait()
    ind.wait()

    def fire(g):
        lo, hi = HGROUPS[g], HGROUPS[g + 1]
        n = (hi - lo) * RPW
        return pltpu.async_copy(table_hbm.at[idxb.at[pl.ds(lo * RPW, n)]],
                                vals.at[pl.ds(lo * RPW, n)], sems[g % 2])

    gd = [None] * HNG
    gd[0] = fire(0)
    gd[1] = fire(1)

    def drain(g):
        gd[g].wait()
        lo, hi = HGROUPS[g], HGROUPS[g + 1]

        def acc_fn(r, carry):
            o = r * LANES
            acc = outv[pl.ds(o, LANES)]
            for f in range(lo, hi):
                acc = acc + vals[pl.ds(f * RPW + o, LANES)]
            outv[pl.ds(o, LANES)] = acc
            return carry

        lax.fori_loop(0, CHUNKS, acc_fn, 0)

    drain(0)
    gd[2] = fire(2)
    drain(1)
    drain(2)
    pltpu.sync_copy(outv, out_hbm.at[pl.ds(base, RPW)])


@functools.cache
def _build_sc_gather_half(f0):
    mesh = plsc.VectorSubcoreMesh(
        core_axis_name="c", subcore_axis_name="s",
        num_cores=NC, num_subcores=NSUB)
    return pl.kernel(
        functools.partial(_sc_gather_half_body, f0),
        out_type=jax.ShapeDtypeStruct((B,), jnp.float32),
        mesh=mesh,
        compiler_params=pltpu.CompilerParams(needs_layout_passes=False),
        scratch_types=[
            pltpu.VMEM((HALF * RPW,), jnp.int32),
            pltpu.VMEM((HALF * RPW,), jnp.float32),
            pltpu.VMEM((RPW,), jnp.float32),
            pltpu.SemaphoreType.DMA,
            pltpu.SemaphoreType.DMA,
        ],
    )


def kernel(raw_feat, sparse_tables, W_dense):
    rawT = raw_feat.T
    idx_all, densep = _build_tc_prep()(rawT, W_dense)
    ta = sparse_tables[:HALF].reshape(HALF, VOCAB)
    ta = lax.optimization_barrier(ta)
    table_a = ta.reshape(HALF * VOCAB)
    tb = sparse_tables[HALF:].reshape(HALF, VOCAB)
    tb = lax.optimization_barrier(tb)
    table_b = tb.reshape(HALF * VOCAB)
    part = _build_sc_gather_half(0)(idx_all, densep, table_a)
    return _build_sc_gather_half(HALF)(idx_all, part, table_b)

# --- scband reference (transcript-rebuilt; emitter-appended) ---
"""Pipeline reference for scband-fieldwise-linear-31198642438697 (READ-ONLY COPY).

The authoritative reference and input builder live on the scoring server;
editing this copy changes nothing except your own understanding.
"""

import jax, jax.numpy as jnp
import numpy as np

B = 16384
N_SPARSE = 26
DENSE_DIMS = 13
VOCAB = 100000

def setup_inputs(seed: int = 0) -> dict:
    key = jax.random.key(seed)
    k1, k2, k3 = jax.random.split(key, 3)
    # raw_feat: first N_SPARSE columns are integer-valued sparse ids (as floats), rest are dense entries
    raw_feat = jax.random.randint(k1, (B, N_SPARSE + DENSE_DIMS), 0, VOCAB).astype(jnp.float32)
    # one [vocab, 1] embedding table per sparse field, stacked (all cardinalities equal here)
    sparse_tables = jax.random.normal(k2, (N_SPARSE, VOCAB, 1), dtype=jnp.float32) * 0.01
    # dense_fc: Linear(dense_dims, 1, bias=False) -> weight [1, dense_dims]
    W_dense = jax.random.normal(k3, (1, DENSE_DIMS), dtype=jnp.float32) * 0.01
    return {"raw_feat": raw_feat, "sparse_tables": sparse_tables, "W_dense": W_dense}

def reference(raw_feat, sparse_tables, W_dense):
    sparse_idx = raw_feat[..., :N_SPARSE].astype(jnp.int32)   # [B, 26]
    dense_feat = raw_feat[..., N_SPARSE:]                     # [B, 13]
    # per-field embedding lookup (embed dim 1), summed over fields
    field_ids = jnp.arange(N_SPARSE)[None, :]                 # [1, 26]
    gathered = sparse_tables[field_ids, sparse_idx, :]        # [B, 26, 1]
    logits = jnp.sum(gathered, axis=1)                        # [B, 1]
    logits = logits + dense_feat @ W_dense.T                  # [B, 1]
    return jnp.squeeze(logits, -1)                            # [B]

if __name__ == "__main__":
    import jax
    _d = setup_inputs()
    print(jax.jit(kernel)(*tuple(_d.values())))

</pallas_src>

<mosaic_0001>
#map = affine_map<(d0, d1) -> (0)>
module attributes {stable_mosaic.version = 14 : i64} {
  func.func @_sc_gather_half_body(%arg0: i32, %arg1: i32, %arg2: memref<425984xi32, #tpu.memory_space<hbm>>, %arg3: memref<16384xf32, #tpu.memory_space<hbm>>, %arg4: memref<1300000xf32, #tpu.memory_space<hbm>>, %arg5: memref<16384xf32, #tpu.memory_space<hbm>>, %arg6: memref<6656xi32, #tpu.memory_space<vmem>>, %arg7: memref<6656xf32, #tpu.memory_space<vmem>>, %arg8: memref<512xf32, #tpu.memory_space<vmem>>, %arg9: memref<!tpu.dma_semaphore, #tpu.memory_space<semaphore_mem>>, %arg10: memref<!tpu.dma_semaphore, #tpu.memory_space<semaphore_mem>>) attributes {dimension_semantics = [#tpu.dimension_semantics<core_parallel>, #tpu.dimension_semantics<subcore_parallel>], iteration_bounds = array<i64: 2, 16>, scalar_prefetch = 0 : i64, scratch_operands = 5 : i64, tpu.core_type = #tpu.core_type<sc_vector_subcore>, window_params = [{transform_indices = #map}, {transform_indices = #map}, {transform_indices = #map}, {transform_indices = #map}]} {
    %mul3A = arith.constant 2 : i32
    %mul3A_0 = arith.muli %arg1, %mul3A : i32
    %add3A = arith.addi %mul3A_0, %arg0 : i32
    %mul3A_1 = arith.constant 512 : i32
    %mul3A_2 = arith.muli %add3A, %mul3A_1 : i32
    %add3A_3 = arith.constant 0 : i32
    %add3A_4 = arith.addi %add3A_3, %mul3A_2 : i32
    %dma_start3A = arith.constant 0 : i32
    %dma_start3A_5 = tpu.memref_slice %arg6[%dma_start3A] : memref<6656xi32, #tpu.memory_space<vmem>> -> memref<512xi32, #tpu.memory_space<vmem>>
    %dma_start3A_6 = tpu.memref_slice %arg2[%add3A_4] : memref<425984xi32, #tpu.memory_space<hbm>> -> memref<512xi32, #tpu.memory_space<hbm>>
    %dma_start3A_7 = arith.constant 0 : i32
    %dma_start3A_8 = tpu.memref_slice %arg6[%dma_start3A_7] : memref<6656xi32, #tpu.memory_space<vmem>> -> memref<512xi32, #tpu.memory_space<vmem>>
    %dma_start3A_9 = tpu.memref_slice %arg2[%add3A_4] : memref<425984xi32, #tpu.memory_space<hbm>> -> memref<512xi32, #tpu.memory_space<hbm>>
    tpu.enqueue_dma source(%dma_start3A_9 : memref<512xi32, #tpu.memory_space<hbm>>) target(%dma_start3A_8 : memref<512xi32, #tpu.memory_space<vmem>>) target_semaphore(%arg9 : memref<!tpu.dma_semaphore, #tpu.memory_space<semaphore_mem>>)
    %add3A_10 = arith.constant 16384 : i32
    %add3A_11 = arith.addi %add3A_10, %mul3A_2 : i32
    %dma_start3A_12 = arith.constant 512 : i32
    %dma_start3A_13 = tpu.memref_slice %arg6[%dma_start3A_12] : memref<6656xi32, #tpu.memory_space<vmem>> -> memref<512xi32, #tpu.memory_space<vmem>>
    %dma_start3A_14 = tpu.memref_slice %arg2[%add3A_11] : memref<425984xi32, #tpu.memory_space<hbm>> -> memref<512xi32, #tpu.memory_space<hbm>>
    %dma_start3A_15 = arith.constant 512 : i32
    %dma_start3A_16 = tpu.memref_slice %arg6[%dma_start3A_15] : memref<6656xi32, #tpu.memory_space<vmem>> -> memref<512xi32, #tpu.memory_space<vmem>>
    %dma_start3A_17 = tpu.memref_slice %arg2[%add3A_11] : memref<425984xi32, #tpu.memory_space<hbm>> -> memref<512xi32, #tpu.memory_space<hbm>>
    tpu.enqueue_dma source(%dma_start3A_17 : memref<512xi32, #tpu.memory_space<hbm>>) target(%dma_start3A_16 : memref<512xi32, #tpu.memory_space<vmem>>) target_semaphore(%arg9 : memref<!tpu.dma_semaphore, #tpu.memory_space<semaphore_mem>>)
    %add3A_18 = arith.constant 32768 : i32
    %add3A_19 = arith.addi %add3A_18, %mul3A_2 : i32
    %dma_start3A_20 = arith.constant 1024 : i32
    %dma_start3A_21 = tpu.memref_slice %arg6[%dma_start3A_20] : memref<6656xi32, #tpu.memory_space<vmem>> -> memref<512xi32, #tpu.memory_space<vmem>>
    %dma_start3A_22 = tpu.memref_slice %arg2[%add3A_19] : memref<425984xi32, #tpu.memory_space<hbm>> -> memref<512xi32, #tpu.memory_space<hbm>>
    %dma_start3A_23 = arith.constant 1024 : i32
    %dma_start3A_24 = tpu.memref_slice %arg6[%dma_start3A_23] : memref<6656xi32, #tpu.memory_space<vmem>> -> memref<512xi32, #tpu.memory_space<vmem>>
    %dma_start3A_25 = tpu.memref_slice %arg2[%add3A_19] : memref<425984xi32, #tpu.memory_space<hbm>> -> memref<512xi32, #tpu.memory_space<hbm>>
    tpu.enqueue_dma source(%dma_start3A_25 : memref<512xi32, #tpu.memory_space<hbm>>) target(%dma_start3A_24 : memref<512xi32, #tpu.memory_space<vmem>>) target_semaphore(%arg9 : memref<!tpu.dma_semaphore, #tpu.memory_space<semaphore_mem>>)
    %add3A_26 = arith.constant 49152 : i32
    %add3A_27 = arith.addi %add3A_26, %mul3A_2 : i32
    %dma_start3A_28 = arith.constant 1536 : i32
    %dma_start3A_29 = tpu.memref_slice %arg6[%dma_start3A_28] : memref<6656xi32, #tpu.memory_space<vmem>> -> memref<512xi32, #tpu.memory_space<vmem>>
    %dma_start3A_30 = tpu.memref_slice %arg2[%add3A_27] : memref<425984xi32, #tpu.memory_space<hbm>> -> memref<512xi32, #tpu.memory_space<hbm>>
    %dma_start3A_31 = arith.constant 1536 : i32
    %dma_start3A_32 = tpu.memref_slice %arg6[%dma_start3A_31] : memref<6656xi32, #tpu.memory_space<vmem>> -> memref<512xi32, #tpu.memory_space<vmem>>
    %dma_start3A_33 = tpu.memref_slice %arg2[%add3A_27] : memref<425984xi32, #tpu.memory_space<hbm>> -> memref<512xi32, #tpu.memory_space<hbm>>
    tpu.enqueue_dma source(%dma_start3A_33 : memref<512xi32, #tpu.memory_space<hbm>>) target(%dma_start3A_32 : memref<512xi32, #tpu.memory_space<vmem>>) target_semaphore(%arg9 : memref<!tpu.dma_semaphore, #tpu.memory_space<semaphore_mem>>)
    %add3A_34 = arith.constant 65536 : i32
    %add3A_35 = arith.addi %add3A_34, %mul3A_2 : i32
    %dma_start3A_36 = arith.constant 2048 : i32
    %dma_start3A_37 = tpu.memref_slice %arg6[%dma_start3A_36] : memref<6656xi32, #tpu.memory_space<vmem>> -> memref<512xi32, #tpu.memory_space<vmem>>
    %dma_start3A_38 = tpu.memref_slice %arg2[%add3A_35] : memref<425984xi32, #tpu.memory_space<hbm>> -> memref<512xi32, #tpu.memory_space<hbm>>
    %dma_start3A_39 = arith.constant 2048 : i32
    %dma_start3A_40 = tpu.memref_slice %arg6[%dma_start3A_39] : memref<6656xi32, #tpu.memory_space<vmem>> -> memref<512xi32, #tpu.memory_space<vmem>>
    %dma_start3A_41 = tpu.memref_slice %arg2[%add3A_35] : memref<425984xi32, #tpu.memory_space<hbm>> -> memref<512xi32, #tpu.memory_space<hbm>>
    tpu.enqueue_dma source(%dma_start3A_41 : memref<512xi32, #tpu.memory_space<hbm>>) target(%dma_start3A_40 : memref<512xi32, #tpu.memory_space<vmem>>) target_semaphore(%arg9 : memref<!tpu.dma_semaphore, #tpu.memory_space<semaphore_mem>>)
    %add3A_42 = arith.constant 81920 : i32
    %add3A_43 = arith.addi %add3A_42, %mul3A_2 : i32
    %dma_start3A_44 = arith.constant 2560 : i32
    %dma_start3A_45 = tpu.memref_slice %arg6[%dma_start3A_44] : memref<6656xi32, #tpu.memory_space<vmem>> -> memref<512xi32, #tpu.memory_space<vmem>>
    %dma_start3A_46 = tpu.memref_slice %arg2[%add3A_43] : memref<425984xi32, #tpu.memory_space<hbm>> -> memref<512xi32, #tpu.memory_space<hbm>>
    %dma_start3A_47 = arith.constant 2560 : i32
    %dma_start3A_48 = tpu.memref_slice %arg6[%dma_start3A_47] : memref<6656xi32, #tpu.memory_space<vmem>> -> memref<512xi32, #tpu.memory_space<vmem>>
    %dma_start3A_49 = tpu.memref_slice %arg2[%add3A_43] : memref<425984xi32, #tpu.memory_space<hbm>> -> memref<512xi32, #tpu.memory_space<hbm>>
    tpu.enqueue_dma source(%dma_start3A_49 : memref<512xi32, #tpu.memory_space<hbm>>) target(%dma_start3A_48 : memref<512xi32, #tpu.memory_space<vmem>>) target_semaphore(%arg9 : memref<!tpu.dma_semaphore, #tpu.memory_space<semaphore_mem>>)
    %add3A_50 = arith.constant 98304 : i32
    %add3A_51 = arith.addi %add3A_50, %mul3A_2 : i32
    %dma_start3A_52 = arith.constant 3072 : i32
    %dma_start3A_53 = tpu.memref_slice %arg6[%dma_start3A_52] : memref<6656xi32, #tpu.memory_space<vmem>> -> memref<512xi32, #tpu.memory_space<vmem>>
    %dma_start3A_54 = tpu.memref_slice %arg2[%add3A_51] : memref<425984xi32, #tpu.memory_space<hbm>> -> memref<512xi32, #tpu.memory_space<hbm>>
    %dma_start3A_55 = arith.constant 3072 : i32
    %dma_start3A_56 = tpu.memref_slice %arg6[%dma_start3A_55] : memref<6656xi32, #tpu.memory_space<vmem>> -> memref<512xi32, #tpu.memory_space<vmem>>
    %dma_start3A_57 = tpu.memref_slice %arg2[%add3A_51] : memref<425984xi32, #tpu.memory_space<hbm>> -> memref<512xi32, #tpu.memory_space<hbm>>
    tpu.enqueue_dma source(%dma_start3A_57 : memref<512xi32, #tpu.memory_space<hbm>>) target(%dma_start3A_56 : memref<512xi32, #tpu.memory_space<vmem>>) target_semaphore(%arg9 : memref<!tpu.dma_semaphore, #tpu.memory_space<semaphore_mem>>)
    %add3A_58 = arith.constant 114688 : i32
    %add3A_59 = arith.addi %add3A_58, %mul3A_2 : i32
    %dma_start3A_60 = arith.constant 3584 : i32
    %dma_start3A_61 = tpu.memref_slice %arg6[%dma_start3A_60] : memref<6656xi32, #tpu.memory_space<vmem>> -> memref<512xi32, #tpu.memory_space<vmem>>
    %dma_start3A_62 = tpu.memref_slice %arg2[%add3A_59] : memref<425984xi32, #tpu.memory_space<hbm>> -> memref<512xi32, #tpu.memory_space<hbm>>
    %dma_start3A_63 = arith.constant 3584 : i32
    %dma_start3A_64 = tpu.memref_slice %arg6[%dma_start3A_63] : memref<6656xi32, #tpu.memory_space<vmem>> -> memref<512xi32, #tpu.memory_space<vmem>>
    %dma_start3A_65 = tpu.memref_slice %arg2[%add3A_59] : memref<425984xi32, #tpu.memory_space<hbm>> -> memref<512xi32, #tpu.memory_space<hbm>>
    tpu.enqueue_dma source(%dma_start3A_65 : memref<512xi32, #tpu.memory_space<hbm>>) target(%dma_start3A_64 : memref<512xi32, #tpu.memory_space<vmem>>) target_semaphore(%arg9 : memref<!tpu.dma_semaphore, #tpu.memory_space<semaphore_mem>>)
    %add3A_66 = arith.constant 131072 : i32
    %add3A_67 = arith.addi %add3A_66, %mul3A_2 : i32
    %dma_start3A_68 = arith.constant 4096 : i32
    %dma_start3A_69 = tpu.memref_slice %arg6[%dma_start3A_68] : memref<6656xi32, #tpu.memory_space<vmem>> -> memref<512xi32, #tpu.memory_space<vmem>>
    %dma_start3A_70 = tpu.memref_slice %arg2[%add3A_67] : memref<425984xi32, #tpu.memory_space<hbm>> -> memref<512xi32, #tpu.memory_space<hbm>>
    %dma_start3A_71 = arith.constant 4096 : i32
    %dma_start3A_72 = tpu.memref_slice %arg6[%dma_start3A_71] : memref<6656xi32, #tpu.memory_space<vmem>> -> memref<512xi32, #tpu.memory_space<vmem>>
    %dma_start3A_73 = tpu.memref_slice %arg2[%add3A_67] : memref<425984xi32, #tpu.memory_space<hbm>> -> memref<512xi32, #tpu.memory_space<hbm>>
    tpu.enqueue_dma source(%dma_start3A_73 : memref<512xi32, #tpu.memory_space<hbm>>) target(%dma_start3A_72 : memref<512xi32, #tpu.memory_space<vmem>>) target_semaphore(%arg9 : memref<!tpu.dma_semaphore, #tpu.memory_space<semaphore_mem>>)
    %add3A_74 = arith.constant 147456 : i32
    %add3A_75 = arith.addi %add3A_74, %mul3A_2 : i32
    %dma_start3A_76 = arith.constant 4608 : i32
    %dma_start3A_77 = tpu.memref_slice %arg6[%dma_start3A_76] : memref<6656xi32, #tpu.memory_space<vmem>> -> memref<512xi32, #tpu.memory_space<vmem>>
    %dma_start3A_78 = tpu.memref_slice %arg2[%add3A_75] : memref<425984xi32, #tpu.memory_space<hbm>> -> memref<512xi32, #tpu.memory_space<hbm>>
    %dma_start3A_79 = arith.constant 4608 : i32
    %dma_start3A_80 = tpu.memref_slice %arg6[%dma_start3A_79] : memref<6656xi32, #tpu.memory_space<vmem>> -> memref<512xi32, #tpu.memory_space<vmem>>
    %dma_start3A_81 = tpu.memref_slice %arg2[%add3A_75] : memref<425984xi32, #tpu.memory_space<hbm>> -> memref<512xi32, #tpu.memory_space<hbm>>
    tpu.enqueue_dma source(%dma_start3A_81 : memref<512xi32, #tpu.memory_space<hbm>>) target(%dma_start3A_80 : memref<512xi32, #tpu.memory_space<vmem>>) target_semaphore(%arg9 : memref<!tpu.dma_semaphore, #tpu.memory_space<semaphore_mem>>)
    %add3A_82 = arith.constant 163840 : i32
    %add3A_83 = arith.addi %add3A_82, %mul3A_2 : i32
    %dma_start3A_84 = arith.constant 5120 : i32
    %dma_start3A_85 = tpu.memref_slice %arg6[%dma_start3A_84] : memref<6656xi32, #tpu.memory_space<vmem>> -> memref<512xi32, #tpu.memory_space<vmem>>
    %dma_start3A_86 = tpu.memref_slice %arg2[%add3A_83] : memref<425984xi32, #tpu.memory_space<hbm>> -> memref<512xi32, #tpu.memory_space<hbm>>
    %dma_start3A_87 = arith.constant 5120 : i32
    %dma_start3A_88 = tpu.memref_slice %arg6[%dma_start3A_87] : memref<6656xi32, #tpu.memory_space<vmem>> -> memref<512xi32, #tpu.memory_space<vmem>>
    %dma_start3A_89 = tpu.memref_slice %arg2[%add3A_83] : memref<425984xi32, #tpu.memory_space<hbm>> -> memref<512xi32, #tpu.memory_space<hbm>>
    tpu.enqueue_dma source(%dma_start3A_89 : memref<512xi32, #tpu.memory_space<hbm>>) target(%dma_start3A_88 : memref<512xi32, #tpu.memory_space<vmem>>) target_semaphore(%arg9 : memref<!tpu.dma_semaphore, #tpu.memory_space<semaphore_mem>>)
    %add3A_90 = arith.constant 180224 : i32
    %add3A_91 = arith.addi %add3A_90, %mul3A_2 : i32
    %dma_start3A_92 = arith.constant 5632 : i32
    %dma_start3A_93 = tpu.memref_slice %arg6[%dma_start3A_92] : memref<6656xi32, #tpu.memory_space<vmem>> -> memref<512xi32, #tpu.memory_space<vmem>>
    %dma_start3A_94 = tpu.memref_slice %arg2[%add3A_91] : memref<425984xi32, #tpu.memory_space<hbm>> -> memref<512xi32, #tpu.memory_space<hbm>>
    %dma_start3A_95 = arith.constant 5632 : i32
    %dma_start3A_96 = tpu.memref_slice %arg6[%dma_start3A_95] : memref<6656xi32, #tpu.memory_space<vmem>> -> memref<512xi32, #tpu.memory_space<vmem>>
    %dma_start3A_97 = tpu.memref_slice %arg2[%add3A_91] : memref<425984xi32, #tpu.memory_space<hbm>> -> memref<512xi32, #tpu.memory_space<hbm>>
    tpu.enqueue_dma source(%dma_start3A_97 : memref<512xi32, #tpu.memory_space<hbm>>) target(%dma_start3A_96 : memref<512xi32, #tpu.memory_space<vmem>>) target_semaphore(%arg9 : memref<!tpu.dma_semaphore, #tpu.memory_space<semaphore_mem>>)
    %add3A_98 = arith.constant 196608 : i32
    %add3A_99 = arith.addi %add3A_98, %mul3A_2 : i32
    %dma_start3A_100 = arith.constant 6144 : i32
    %dma_start3A_101 = tpu.memref_slice %arg6[%dma_start3A_100] : memref<6656xi32, #tpu.memory_space<vmem>> -> memref<512xi32, #tpu.memory_space<vmem>>
    %dma_start3A_102 = tpu.memref_slice %arg2[%add3A_99] : memref<425984xi32, #tpu.memory_space<hbm>> -> memref<512xi32, #tpu.memory_space<hbm>>
    %dma_start3A_103 = arith.constant 6144 : i32
    %dma_start3A_104 = tpu.memref_slice %arg6[%dma_start3A_103] : memref<6656xi32, #tpu.memory_space<vmem>> -> memref<512xi32, #tpu.memory_space<vmem>>
    %dma_start3A_105 = tpu.memref_slice %arg2[%add3A_99] : memref<425984xi32, #tpu.memory_space<hbm>> -> memref<512xi32, #tpu.memory_space<hbm>>
    tpu.enqueue_dma source(%dma_start3A_105 : memref<512xi32, #tpu.memory_space<hbm>>) target(%dma_start3A_104 : memref<512xi32, #tpu.memory_space<vmem>>) target_semaphore(%arg9 : memref<!tpu.dma_semaphore, #tpu.memory_space<semaphore_mem>>)
    %dma_start3A_106 = tpu.memref_slice %arg3[%mul3A_2] : memref<16384xf32, #tpu.memory_space<hbm>> -> memref<512xf32, #tpu.memory_space<hbm>>
    %dma_start3A_107 = tpu.memref_slice %arg3[%mul3A_2] : memref<16384xf32, #tpu.memory_space<hbm>> -> memref<512xf32, #tpu.memory_space<hbm>>
    tpu.enqueue_dma source(%dma_start3A_107 : memref<512xf32, #tpu.memory_space<hbm>>) target(%arg8 : memref<512xf32, #tpu.memory_space<vmem>>) target_semaphore(%arg10 : memref<!tpu.dma_semaphore, #tpu.memory_space<semaphore_mem>>)
    %dma_wait3A = arith.constant 0 : i32
    %dma_wait3A_108 = tpu.memref_slice %arg6[%dma_wait3A] : memref<6656xi32, #tpu.memory_space<vmem>> -> memref<512xi32, #tpu.memory_space<vmem>>
    %dma_wait3A_109 = tpu.memref_slice %arg2[%add3A_4] : memref<425984xi32, #tpu.memory_space<hbm>> -> memref<512xi32, #tpu.memory_space<hbm>>
    %dma_wait3A_110 = arith.constant 0 : i32
    %dma_wait3A_111 = tpu.memref_slice %arg6[%dma_wait3A_110] : memref<6656xi32, #tpu.memory_space<vmem>> -> memref<512xi32, #tpu.memory_space<vmem>>
    %dma_wait3A_112 = tpu.memref_slice %arg2[%add3A_4] : memref<425984xi32, #tpu.memory_space<hbm>> -> memref<512xi32, #tpu.memory_space<hbm>>
    tpu.wait_dma2 semaphore(%arg9 : memref<!tpu.dma_semaphore, #tpu.memory_space<semaphore_mem>>) src(%dma_wait3A_112 : memref<512xi32, #tpu.memory_space<hbm>>) dst(%dma_wait3A_111 : memref<512xi32, #tpu.memory_space<vmem>>)
    %dma_wait3A_113 = arith.constant 512 : i32
    %dma_wait3A_114 = tpu.memref_slice %arg6[%dma_wait3A_113] : memref<6656xi32, #tpu.memory_space<vmem>> -> memref<512xi32, #tpu.memory_space<vmem>>
    %dma_wait3A_115 = tpu.memref_slice %arg2[%add3A_11] : memref<425984xi32, #tpu.memory_space<hbm>> -> memref<512xi32, #tpu.memory_space<hbm>>
    %dma_wait3A_116 = arith.constant 512 : i32
    %dma_wait3A_117 = tpu.memref_slice %arg6[%dma_wait3A_116] : memref<6656xi32, #tpu.memory_space<vmem>> -> memref<512xi32, #tpu.memory_space<vmem>>
    %dma_wait3A_118 = tpu.memref_slice %arg2[%add3A_11] : memref<425984xi32, #tpu.memory_space<hbm>> -> memref<512xi32, #tpu.memory_space<hbm>>
    tpu.wait_dma2 semaphore(%arg9 : memref<!tpu.dma_semaphore, #tpu.memory_space<semaphore_mem>>) src(%dma_wait3A_118 : memref<512xi32, #tpu.memory_space<hbm>>) dst(%dma_wait3A_117 : memref<512xi32, #tpu.memory_space<vmem>>)
    %dma_wait3A_119 = arith.constant 1024 : i32
    %dma_wait3A_120 = tpu.memref_slice %arg6[%dma_wait3A_119] : memref<6656xi32, #tpu.memory_space<vmem>> -> memref<512xi32, #tpu.memory_space<vmem>>
    %dma_wait3A_121 = tpu.memref_slice %arg2[%add3A_19] : memref<425984xi32, #tpu.memory_space<hbm>> -> memref<512xi32, #tpu.memory_space<hbm>>
    %dma_wait3A_122 = arith.constant 1024 : i32
    %dma_wait3A_123 = tpu.memref_slice %arg6[%dma_wait3A_122] : memref<6656xi32, #tpu.memory_space<vmem>> -> memref<512xi32, #tpu.memory_space<vmem>>
    %dma_wait3A_124 = tpu.memref_slice %arg2[%add3A_19] : memref<425984xi32, #tpu.memory_space<hbm>> -> memref<512xi32, #tpu.memory_space<hbm>>
    tpu.wait_dma2 semaphore(%arg9 : memref<!tpu.dma_semaphore, #tpu.memory_space<semaphore_mem>>) src(%dma_wait3A_124 : memref<512xi32, #tpu.memory_space<hbm>>) dst(%dma_wait3A_123 : memref<512xi32, #tpu.memory_space<vmem>>)
    %dma_wait3A_125 = arith.constant 1536 : i32
    %dma_wait3A_126 = tpu.memref_slice %arg6[%dma_wait3A_125] : memref<6656xi32, #tpu.memory_space<vmem>> -> memref<512xi32, #tpu.memory_space<vmem>>
    %dma_wait3A_127 = tpu.memref_slice %arg2[%add3A_27] : memref<425984xi32, #tpu.memory_space<hbm>> -> memref<512xi32, #tpu.memory_space<hbm>>
    %dma_wait3A_128 = arith.constant 1536 : i32
    %dma_wait3A_129 = tpu.memref_slice %arg6[%dma_wait3A_128] : memref<6656xi32, #tpu.memory_space<vmem>> -> memref<512xi32, #tpu.memory_space<vmem>>
    %dma_wait3A_130 = tpu.memref_slice %arg2[%add3A_27] : memref<425984xi32, #tpu.memory_space<hbm>> -> memref<512xi32, #tpu.memory_space<hbm>>
    tpu.wait_dma2 semaphore(%arg9 : memref<!tpu.dma_semaphore, #tpu.memory_space<semaphore_mem>>) src(%dma_wait3A_130 : memref<512xi32, #tpu.memory_space<hbm>>) dst(%dma_wait3A_129 : memref<512xi32, #tpu.memory_space<vmem>>)
    %dma_wait3A_131 = arith.constant 2048 : i32
    %dma_wait3A_132 = tpu.memref_slice %arg6[%dma_wait3A_131] : memref<6656xi32, #tpu.memory_space<vmem>> -> memref<512xi32, #tpu.memory_space<vmem>>
    %dma_wait3A_133 = tpu.memref_slice %arg2[%add3A_35] : memref<425984xi32, #tpu.memory_space<hbm>> -> memref<512xi32, #tpu.memory_space<hbm>>
    %dma_wait3A_134 = arith.constant 2048 : i32
    %dma_wait3A_135 = tpu.memref_slice %arg6[%dma_wait3A_134] : memref<6656xi32, #tpu.memory_space<vmem>> -> memref<512xi32, #tpu.memory_space<vmem>>
    %dma_wait3A_136 = tpu.memref_slice %arg2[%add3A_35] : memref<425984xi32, #tpu.memory_space<hbm>> -> memref<512xi32, #tpu.memory_space<hbm>>
    tpu.wait_dma2 semaphore(%arg9 : memref<!tpu.dma_semaphore, #tpu.memory_space<semaphore_mem>>) src(%dma_wait3A_136 : memref<512xi32, #tpu.memory_space<hbm>>) dst(%dma_wait3A_135 : memref<512xi32, #tpu.memory_space<vmem>>)
    %dma_wait3A_137 = arith.constant 2560 : i32
    %dma_wait3A_138 = tpu.memref_slice %arg6[%dma_wait3A_137] : memref<6656xi32, #tpu.memory_space<vmem>> -> memref<512xi32, #tpu.memory_space<vmem>>
    %dma_wait3A_139 = tpu.memref_slice %arg2[%add3A_43] : memref<425984xi32, #tpu.memory_space<hbm>> -> memref<512xi32, #tpu.memory_space<hbm>>
    %dma_wait3A_140 = arith.constant 2560 : i32
    %dma_wait3A_141 = tpu.memref_slice %arg6[%dma_wait3A_140] : memref<6656xi32, #tpu.memory_space<vmem>> -> memref<512xi32, #tpu.memory_space<vmem>>
    %dma_wait3A_142 = tpu.memref_slice %arg2[%add3A_43] : memref<425984xi32, #tpu.memory_space<hbm>> -> memref<512xi32, #tpu.memory_space<hbm>>
    tpu.wait_dma2 semaphore(%arg9 : memref<!tpu.dma_semaphore, #tpu.memory_space<semaphore_mem>>) src(%dma_wait3A_142 : memref<512xi32, #tpu.memory_space<hbm>>) dst(%dma_wait3A_141 : memref<512xi32, #tpu.memory_space<vmem>>)
    %dma_wait3A_143 = arith.constant 3072 : i32
    %dma_wait3A_144 = tpu.memref_slice %arg6[%dma_wait3A_143] : memref<6656xi32, #tpu.memory_space<vmem>> -> memref<512xi32, #tpu.memory_space<vmem>>
    %dma_wait3A_145 = tpu.memref_slice %arg2[%add3A_51] : memref<425984xi32, #tpu.memory_space<hbm>> -> memref<512xi32, #tpu.memory_space<hbm>>
    %dma_wait3A_146 = arith.constant 3072 : i32
    %dma_wait3A_147 = tpu.memref_slice %arg6[%dma_wait3A_146] : memref<6656xi32, #tpu.memory_space<vmem>> -> memref<512xi32, #tpu.memory_space<vmem>>
    %dma_wait3A_148 = tpu.memref_slice %arg2[%add3A_51] : memref<425984xi32, #tpu.memory_space<hbm>> -> memref<512xi32, #tpu.memory_space<hbm>>
    tpu.wait_dma2 semaphore(%arg9 : memref<!tpu.dma_semaphore, #tpu.memory_space<semaphore_mem>>) src(%dma_wait3A_148 : memref<512xi32, #tpu.memory_space<hbm>>) dst(%dma_wait3A_147 : memref<512xi32, #tpu.memory_space<vmem>>)
    %dma_wait3A_149 = arith.constant 3584 : i32
    %dma_wait3A_150 = tpu.memref_slice %arg6[%dma_wait3A_149] : memref<6656xi32, #tpu.memory_space<vmem>> -> memref<512xi32, #tpu.memory_space<vmem>>
    %dma_wait3A_151 = tpu.memref_slice %arg2[%add3A_59] : memref<425984xi32, #tpu.memory_space<hbm>> -> memref<512xi32, #tpu.memory_space<hbm>>
    %dma_wait3A_152 = arith.constant 3584 : i32
    %dma_wait3A_153 = tpu.memref_slice %arg6[%dma_wait3A_152] : memref<6656xi32, #tpu.memory_space<vmem>> -> memref<512xi32, #tpu.memory_space<vmem>>
    %dma_wait3A_154 = tpu.memref_slice %arg2[%add3A_59] : memref<425984xi32, #tpu.memory_space<hbm>> -> memref<512xi32, #tpu.memory_space<hbm>>
    tpu.wait_dma2 semaphore(%arg9 : memref<!tpu.dma_semaphore, #tpu.memory_space<semaphore_mem>>) src(%dma_wait3A_154 : memref<512xi32, #tpu.memory_space<hbm>>) dst(%dma_wait3A_153 : memref<512xi32, #tpu.memory_space<vmem>>)
    %dma_wait3A_155 = arith.constant 4096 : i32
    %dma_wait3A_156 = tpu.memref_slice %arg6[%dma_wait3A_155] : memref<6656xi32, #tpu.memory_space<vmem>> -> memref<512xi32, #tpu.memory_space<vmem>>
    %dma_wait3A_157 = tpu.memref_slice %arg2[%add3A_67] : memref<425984xi32, #tpu.memory_space<hbm>> -> memref<512xi32, #tpu.memory_space<hbm>>
    %dma_wait3A_158 = arith.constant 4096 : i32
    %dma_wait3A_159 = tpu.memref_slice %arg6[%dma_wait3A_158] : memref<6656xi32, #tpu.memory_space<vmem>> -> memref<512xi32, #tpu.memory_space<vmem>>
    %dma_wait3A_160 = tpu.memref_slice %arg2[%add3A_67] : memref<425984xi32, #tpu.memory_space<hbm>> -> memref<512xi32, #tpu.memory_space<hbm>>
    tpu.wait_dma2 semaphore(%arg9 : memref<!tpu.dma_semaphore, #tpu.memory_space<semaphore_mem>>) src(%dma_wait3A_160 : memref<512xi32, #tpu.memory_space<hbm>>) dst(%dma_wait3A_159 : memref<512xi32, #tpu.memory_space<vmem>>)
    %dma_wait3A_161 = arith.constant 4608 : i32
    %dma_wait3A_162 = tpu.memref_slice %arg6[%dma_wait3A_161] : memref<6656xi32, #tpu.memory_space<vmem>> -> memref<512xi32, #tpu.memory_space<vmem>>
    %dma_wait3A_163 = tpu.memref_slice %arg2[%add3A_75] : memref<425984xi32, #tpu.memory_space<hbm>> -> memref<512xi32, #tpu.memory_space<hbm>>
    %dma_wait3A_164 = arith.constant 4608 : i32
    %dma_wait3A_165 = tpu.memref_slice %arg6[%dma_wait3A_164] : memref<6656xi32, #tpu.memory_space<vmem>> -> memref<512xi32, #tpu.memory_space<vmem>>
    %dma_wait3A_166 = tpu.memref_slice %arg2[%add3A_75] : memref<425984xi32, #tpu.memory_space<hbm>> -> memref<512xi32, #tpu.memory_space<hbm>>
    tpu.wait_dma2 semaphore(%arg9 : memref<!tpu.dma_semaphore, #tpu.memory_space<semaphore_mem>>) src(%dma_wait3A_166 : memref<512xi32, #tpu.memory_space<hbm>>) dst(%dma_wait3A_165 : memref<512xi32, #tpu.memory_space<vmem>>)
    %dma_wait3A_167 = arith.constant 5120 : i32
    %dma_wait3A_168 = tpu.memref_slice %arg6[%dma_wait3A_167] : memref<6656xi32, #tpu.memory_space<vmem>> -> memref<512xi32, #tpu.memory_space<vmem>>
    %dma_wait3A_169 = tpu.memref_slice %arg2[%add3A_83] : memref<425984xi32, #tpu.memory_space<hbm>> -> memref<512xi32, #tpu.memory_space<hbm>>
    %dma_wait3A_170 = arith.constant 5120 : i32
    %dma_wait3A_171 = tpu.memref_slice %arg6[%dma_wait3A_170] : memref<6656xi32, #tpu.memory_space<vmem>> -> memref<512xi32, #tpu.memory_space<vmem>>
    %dma_wait3A_172 = tpu.memref_slice %arg2[%add3A_83] : memref<425984xi32, #tpu.memory_space<hbm>> -> memref<512xi32, #tpu.memory_space<hbm>>
    tpu.wait_dma2 semaphore(%arg9 : memref<!tpu.dma_semaphore, #tpu.memory_space<semaphore_mem>>) src(%dma_wait3A_172 : memref<512xi32, #tpu.memory_space<hbm>>) dst(%dma_wait3A_171 : memref<512xi32, #tpu.memory_space<vmem>>)
    %dma_wait3A_173 = arith.constant 5632 : i32
    %dma_wait3A_174 = tpu.memref_slice %arg6[%dma_wait3A_173] : memref<6656xi32, #tpu.memory_space<vmem>> -> memref<512xi32, #tpu.memory_space<vmem>>
    %dma_wait3A_175 = tpu.memref_slice %arg2[%add3A_91] : memref<425984xi32, #tpu.memory_space<hbm>> -> memref<512xi32, #tpu.memory_space<hbm>>
    %dma_wait3A_176 = arith.constant 5632 : i32
    %dma_wait3A_177 = tpu.memref_slice %arg6[%dma_wait3A_176] : memref<6656xi32, #tpu.memory_space<vmem>> -> memref<512xi32, #tpu.memory_space<vmem>>
    %dma_wait3A_178 = tpu.memref_slice %arg2[%add3A_91] : memref<425984xi32, #tpu.memory_space<hbm>> -> memref<512xi32, #tpu.memory_space<hbm>>
    tpu.wait_dma2 semaphore(%arg9 : memref<!tpu.dma_semaphore, #tpu.memory_space<semaphore_mem>>) src(%dma_wait3A_178 : memref<512xi32, #tpu.memory_space<hbm>>) dst(%dma_wait3A_177 : memref<512xi32, #tpu.memory_space<vmem>>)
    %dma_wait3A_179 = arith.constant 6144 : i32
    %dma_wait3A_180 = tpu.memref_slice %arg6[%dma_wait3A_179] : memref<6656xi32, #tpu.memory_space<vmem>> -> memref<512xi32, #tpu.memory_space<vmem>>
    %dma_wait3A_181 = tpu.memref_slice %arg2[%add3A_99] : memref<425984xi32, #tpu.memory_space<hbm>> -> memref<512xi32, #tpu.memory_space<hbm>>
    %dma_wait3A_182 = arith.constant 6144 : i32
    %dma_wait3A_183 = tpu.memref_slice %arg6[%dma_wait3A_182] : memref<6656xi32, #tpu.memory_space<vmem>> -> memref<512xi32, #tpu.memory_space<vmem>>
    %dma_wait3A_184 = tpu.memref_slice %arg2[%add3A_99] : memref<425984xi32, #tpu.memory_space<hbm>> -> memref<512xi32, #tpu.memory_space<hbm>>
    tpu.wait_dma2 semaphore(%arg9 : memref<!tpu.dma_semaphore, #tpu.memory_space<semaphore_mem>>) src(%dma_wait3A_184 : memref<512xi32, #tpu.memory_space<hbm>>) dst(%dma_wait3A_183 : memref<512xi32, #tpu.memory_space<vmem>>)
    %dma_wait3A_185 = tpu.memref_slice %arg3[%mul3A_2] : memref<16384xf32, #tpu.memory_space<hbm>> -> memref<512xf32, #tpu.memory_space<hbm>>
    %dma_wait3A_186 = tpu.memref_slice %arg3[%mul3A_2] : memref<16384xf32, #tpu.memory_space<hbm>> -> memref<512xf32, #tpu.memory_space<hbm>>
    tpu.wait_dma2 semaphore(%arg10 : memref<!tpu.dma_semaphore, #tpu.memory_space<semaphore_mem>>) src(%dma_wait3A_186 : memref<512xf32, #tpu.memory_space<hbm>>) dst(%arg8 : memref<512xf32, #tpu.memory_space<vmem>>)
    %dma_start3A_187 = arith.constant 0 : i32
    %dma_start3A_188 = tpu.memref_slice %arg7[%dma_start3A_187] : memref<6656xf32, #tpu.memory_space<vmem>> -> memref<2560xf32, #tpu.memory_space<vmem>>
    %dma_start3A_189 = arith.constant 0 : i32
    %dma_start3A_190 = tpu.memref_slice %arg6[%dma_start3A_189] : memref<6656xi32, #tpu.memory_space<vmem>> -> memref<2560xi32, #tpu.memory_space<vmem>>
    %dma_start3A_191 = arith.constant 0 : i32
    %dma_start3A_192 = tpu.memref_slice %arg4[%dma_start3A_191] : memref<1300000xf32, #tpu.memory_space<hbm>> -> memref<1300000xf32, #tpu.memory_space<hbm>>
    tpu.enqueue_indirect_dma source(%dma_start3A_192 : memref<1300000xf32, #tpu.memory_space<hbm>>) target(%dma_start3A_188 : memref<2560xf32, #tpu.memory_space<vmem>>) offsets(%dma_start3A_190 : memref<2560xi32, #tpu.memory_space<vmem>>) semaphore(%arg9 : memref<!tpu.dma_semaphore, #tpu.memory_space<semaphore_mem>>)
    %dma_start3A_193 = arith.constant 2560 : i32
    %dma_start3A_194 = tpu.memref_slice %arg7[%dma_start3A_193] : memref<6656xf32, #tpu.memory_space<vmem>> -> memref<2048xf32, #tpu.memory_space<vmem>>
    %dma_start3A_195 = arith.constant 2560 : i32
    %dma_start3A_196 = tpu.memref_slice %arg6[%dma_start3A_195] : memref<6656xi32, #tpu.memory_space<vmem>> -> memref<2048xi32, #tpu.memory_space<vmem>>
    %dma_start3A_197 = arith.constant 0 : i32
    %dma_start3A_198 = tpu.memref_slice %arg4[%dma_start3A_197] : memref<1300000xf32, #tpu.memory_space<hbm>> -> memref<1300000xf32, #tpu.memory_space<hbm>>
    tpu.enqueue_indirect_dma source(%dma_start3A_198 : memref<1300000xf32, #tpu.memory_space<hbm>>) target(%dma_start3A_194 : memref<2048xf32, #tpu.memory_space<vmem>>) offsets(%dma_start3A_196 : memref<2048xi32, #tpu.memory_space<vmem>>) semaphore(%arg10 : memref<!tpu.dma_semaphore, #tpu.memory_space<semaphore_mem>>)
    %dma_wait3A_199 = arith.constant 0 : i32
    %dma_wait3A_200 = tpu.memref_slice %arg7[%dma_wait3A_199] : memref<6656xf32, #tpu.memory_space<vmem>> -> memref<2560xf32, #tpu.memory_space<vmem>>
    %dma_wait3A_201 = arith.constant 0 : i32
    %dma_wait3A_202 = tpu.memref_slice %arg6[%dma_wait3A_201] : memref<6656xi32, #tpu.memory_space<vmem>> -> memref<2560xi32, #tpu.memory_space<vmem>>
    %dma_wait3A_203 = arith.constant 0 : i32
    %dma_wait3A_204 = tpu.memref_slice %arg4[%dma_wait3A_203] : memref<1300000xf32, #tpu.memory_space<hbm>> -> memref<1300000xf32, #tpu.memory_space<hbm>>
    tpu.wait_indirect_dma semaphore(%arg9 : memref<!tpu.dma_semaphore, #tpu.memory_space<semaphore_mem>>) src(%dma_wait3A_204 : memref<1300000xf32, #tpu.memory_space<hbm>>) dst(%dma_wait3A_200 : memref<2560xf32, #tpu.memory_space<vmem>>)
    %scan3A = arith.constant 0 : i32
    %scan3A_205 = arith.constant 0 : i32
    %scan3A_206 = arith.constant 32 : i32
    %scan3A_207 = arith.addi %scan3A_205, %scan3A_206 : i32
    %scan3A_208 = arith.constant 1 : i32
    scf.for %scan3A_240 = %scan3A_205 to %scan3A_207 step %scan3A_208  : i32 {
      %mul3A_241 = arith.constant 16 : i32
      %mul3A_242 = arith.muli %scan3A_240, %mul3A_241 : i32
      %get3A = arith.index_cast %mul3A_242 : i32 to index
      %get3A_243 = tpu.vector_load %arg8[%get3A] {strides = array<i32>} : memref<512xf32, #tpu.memory_space<vmem>>, vector<16xf32>,
      %add3A_244 = arith.constant 0 : i32
      %add3A_245 = arith.addi %add3A_244, %mul3A_242 : i32
      %get3A_246 = arith.index_cast %add3A_245 : i32 to index
      %get3A_247 = tpu.vector_load %arg7[%get3A_246] {strides = array<i32>} : memref<6656xf32, #tpu.memory_space<vmem>>, vector<16xf32>,
      %add3A_248 = arith.addf %get3A_243, %get3A_247 : vector<16xf32>
      %add3A_249 = arith.constant 512 : i32
      %add3A_250 = arith.addi %add3A_249, %mul3A_242 : i32
      %get3A_251 = arith.index_cast %add3A_250 : i32 to index
      %get3A_252 = tpu.vector_load %arg7[%get3A_251] {strides = array<i32>} : memref<6656xf32, #tpu.memory_space<vmem>>, vector<16xf32>,
      %add3A_253 = arith.addf %add3A_248, %get3A_252 : vector<16xf32>
      %add3A_254 = arith.constant 1024 : i32
      %add3A_255 = arith.addi %add3A_254, %mul3A_242 : i32
      %get3A_256 = arith.index_cast %add3A_255 : i32 to index
      %get3A_257 = tpu.vector_load %arg7[%get3A_256] {strides = array<i32>} : memref<6656xf32, #tpu.memory_space<vmem>>, vector<16xf32>,
      %add3A_258 = arith.addf %add3A_253, %get3A_257 : vector<16xf32>
      %add3A_259 = arith.constant 1536 : i32
      %add3A_260 = arith.addi %add3A_259, %mul3A_242 : i32
      %get3A_261 = arith.index_cast %add3A_260 : i32 to index
      %get3A_262 = tpu.vector_load %arg7[%get3A_261] {strides = array<i32>} : memref<6656xf32, #tpu.memory_space<vmem>>, vector<16xf32>,
      %add3A_263 = arith.addf %add3A_258, %get3A_262 : vector<16xf32>
      %add3A_264 = arith.constant 2048 : i32
      %add3A_265 = arith.addi %add3A_264, %mul3A_242 : i32
      %get3A_266 = arith.index_cast %add3A_265 : i32 to index
      %get3A_267 = tpu.vector_load %arg7[%get3A_266] {strides = array<i32>} : memref<6656xf32, #tpu.memory_space<vmem>>, vector<16xf32>,
      %add3A_268 = arith.addf %add3A_263, %get3A_267 : vector<16xf32>
      %swap3A = arith.index_cast %mul3A_242 : i32 to index
      %swap3A_269 = tpu.vector_load %arg8[%swap3A] {strides = array<i32>} : memref<512xf32, #tpu.memory_space<vmem>>, vector<16xf32>,
      tpu.vector_store %arg8[%swap3A], %add3A_268 {strides = array<i32>} : memref<512xf32, #tpu.memory_space<vmem>>, vector<16xf32>,
    }
    %scan3A_209 = arith.constant 32 : i32
    %dma_start3A_210 = arith.constant 4608 : i32
    %dma_start3A_211 = tpu.memref_slice %arg7[%dma_start3A_210] : memref<6656xf32, #tpu.memory_space<vmem>> -> memref<2048xf32, #tpu.memory_space<vmem>>
    %dma_start3A_212 = arith.constant 4608 : i32
    %dma_start3A_213 = tpu.memref_slice %arg6[%dma_start3A_212] : memref<6656xi32, #tpu.memory_space<vmem>> -> memref<2048xi32, #tpu.memory_space<vmem>>
    %dma_start3A_214 = arith.constant 0 : i32
    %dma_start3A_215 = tpu.memref_slice %arg4[%dma_start3A_214] : memref<1300000xf32, #tpu.memory_space<hbm>> -> memref<1300000xf32, #tpu.memory_space<hbm>>
    tpu.enqueue_indirect_dma source(%dma_start3A_215 : memref<1300000xf32, #tpu.memory_space<hbm>>) target(%dma_start3A_211 : memref<2048xf32, #tpu.memory_space<vmem>>) offsets(%dma_start3A_213 : memref<2048xi32, #tpu.memory_space<vmem>>) semaphore(%arg9 : memref<!tpu.dma_semaphore, #tpu.memory_space<semaphore_mem>>)
    %dma_wait3A_216 = arith.constant 2560 : i32
    %dma_wait3A_217 = tpu.memref_slice %arg7[%dma_wait3A_216] : memref<6656xf32, #tpu.memory_space<vmem>> -> memref<2048xf32, #tpu.memory_space<vmem>>
    %dma_wait3A_218 = arith.constant 2560 : i32
    %dma_wait3A_219 = tpu.memref_slice %arg6[%dma_wait3A_218] : memref<6656xi32, #tpu.memory_space<vmem>> -> memref<2048xi32, #tpu.memory_space<vmem>>
    %dma_wait3A_220 = arith.constant 0 : i32
    %dma_wait3A_221 = tpu.memref_slice %arg4[%dma_wait3A_220] : memref<1300000xf32, #tpu.memory_space<hbm>> -> memref<1300000xf32, #tpu.memory_space<hbm>>
    tpu.wait_indirect_dma semaphore(%arg10 : memref<!tpu.dma_semaphore, #tpu.memory_space<semaphore_mem>>) src(%dma_wait3A_221 : memref<1300000xf32, #tpu.memory_space<hbm>>) dst(%dma_wait3A_217 : memref<2048xf32, #tpu.memory_space<vmem>>)
    %scan3A_222 = arith.constant 0 : i32
    %scan3A_223 = arith.constant 0 : i32
    %scan3A_224 = arith.constant 32 : i32
    %scan3A_225 = arith.addi %scan3A_223, %scan3A_224 : i32
    %scan3A_226 = arith.constant 1 : i32
    scf.for %scan3A_240 = %scan3A_223 to %scan3A_225 step %scan3A_226  : i32 {
      %mul3A_241 = arith.constant 16 : i32
      %mul3A_242 = arith.muli %scan3A_240, %mul3A_241 : i32
      %get3A = arith.index_cast %mul3A_242 : i32 to index
      %get3A_243 = tpu.vector_load %arg8[%get3A] {strides = array<i32>} : memref<512xf32, #tpu.memory_space<vmem>>, vector<16xf32>,
      %add3A_244 = arith.constant 2560 : i32
      %add3A_245 = arith.addi %add3A_244, %mul3A_242 : i32
      %get3A_246 = arith.index_cast %add3A_245 : i32 to index
      %get3A_247 = tpu.vector_load %arg7[%get3A_246] {strides = array<i32>} : memref<6656xf32, #tpu.memory_space<vmem>>, vector<16xf32>,
      %add3A_248 = arith.addf %get3A_243, %get3A_247 : vector<16xf32>
      %add3A_249 = arith.constant 3072 : i32
      %add3A_250 = arith.addi %add3A_249, %mul3A_242 : i32
      %get3A_251 = arith.index_cast %add3A_250 : i32 to index
      %get3A_252 = tpu.vector_load %arg7[%get3A_251] {strides = array<i32>} : memref<6656xf32, #tpu.memory_space<vmem>>, vector<16xf32>,
      %add3A_253 = arith.addf %add3A_248, %get3A_252 : vector<16xf32>
      %add3A_254 = arith.constant 3584 : i32
      %add3A_255 = arith.addi %add3A_254, %mul3A_242 : i32
      %get3A_256 = arith.index_cast %add3A_255 : i32 to index
      %get3A_257 = tpu.vector_load %arg7[%get3A_256] {strides = array<i32>} : memref<6656xf32, #tpu.memory_space<vmem>>, vector<16xf32>,
      %add3A_258 = arith.addf %add3A_253, %get3A_257 : vector<16xf32>
      %add3A_259 = arith.constant 4096 : i32
      %add3A_260 = arith.addi %add3A_259, %mul3A_242 : i32
      %get3A_261 = arith.index_cast %add3A_260 : i32 to index
      %get3A_262 = tpu.vector_load %arg7[%get3A_261] {strides = array<i32>} : memref<6656xf32, #tpu.memory_space<vmem>>, vector<16xf32>,
      %add3A_263 = arith.addf %add3A_258, %get3A_262 : vector<16xf32>
      %swap3A = arith.index_cast %mul3A_242 : i32 to index
      %swap3A_264 = tpu.vector_load %arg8[%swap3A] {strides = array<i32>} : memref<512xf32, #tpu.memory_space<vmem>>, vector<16xf32>,
      tpu.vector_store %arg8[%swap3A], %add3A_263 {strides = array<i32>} : memref<512xf32, #tpu.memory_space<vmem>>, vector<16xf32>,
    }
    %scan3A_227 = arith.constant 32 : i32
    %dma_wait3A_228 = arith.constant 4608 : i32
    %dma_wait3A_229 = tpu.memref_slice %arg7[%dma_wait3A_228] : memref<6656xf32, #tpu.memory_space<vmem>> -> memref<2048xf32, #tpu.memory_space<vmem>>
    %dma_wait3A_230 = arith.constant 4608 : i32
    %dma_wait3A_231 = tpu.memref_slice %arg6[%dma_wait3A_230] : memref<6656xi32, #tpu.memory_space<vmem>> -> memref<2048xi32, #tpu.memory_space<vmem>>
    %dma_wait3A_232 = arith.constant 0 : i32
    %dma_wait3A_233 = tpu.memref_slice %arg4[%dma_wait3A_232] : memref<1300000xf32, #tpu.memory_space<hbm>> -> memref<1300000xf32, #tpu.memory_space<hbm>>
    tpu.wait_indirect_dma semaphore(%arg9 : memref<!tpu.dma_semaphore, #tpu.memory_space<semaphore_mem>>) src(%dma_wait3A_233 : memref<1300000xf32, #tpu.memory_space<hbm>>) dst(%dma_wait3A_229 : memref<2048xf32, #tpu.memory_space<vmem>>)
    %scan3A_234 = arith.constant 0 : i32
    %scan3A_235 = arith.constant 0 : i32
    %scan3A_236 = arith.constant 32 : i32
    %scan3A_237 = arith.addi %scan3A_235, %scan3A_236 : i32
    %scan3A_238 = arith.constant 1 : i32
    scf.for %scan3A_240 = %scan3A_235 to %scan3A_237 step %scan3A_238  : i32 {
      %mul3A_241 = arith.constant 16 : i32
      %mul3A_242 = arith.muli %scan3A_240, %mul3A_241 : i32
      %get3A = arith.index_cast %mul3A_242 : i32 to index
      %get3A_243 = tpu.vector_load %arg8[%get3A] {strides = array<i32>} : memref<512xf32, #tpu.memory_space<vmem>>, vector<16xf32>,
      %add3A_244 = arith.constant 4608 : i32
      %add3A_245 = arith.addi %add3A_244, %mul3A_242 : i32
      %get3A_246 = arith.index_cast %add3A_245 : i32 to index
      %get3A_247 = tpu.vector_load %arg7[%get3A_246] {strides = array<i32>} : memref<6656xf32, #tpu.memory_space<vmem>>, vector<16xf32>,
      %add3A_248 = arith.addf %get3A_243, %get3A_247 : vector<16xf32>
      %add3A_249 = arith.constant 5120 : i32
      %add3A_250 = arith.addi %add3A_249, %mul3A_242 : i32
      %get3A_251 = arith.index_cast %add3A_250 : i32 to index
      %get3A_252 = tpu.vector_load %arg7[%get3A_251] {strides = array<i32>} : memref<6656xf32, #tpu.memory_space<vmem>>, vector<16xf32>,
      %add3A_253 = arith.addf %add3A_248, %get3A_252 : vector<16xf32>
      %add3A_254 = arith.constant 5632 : i32
      %add3A_255 = arith.addi %add3A_254, %mul3A_242 : i32
      %get3A_256 = arith.index_cast %add3A_255 : i32 to index
      %get3A_257 = tpu.vector_load %arg7[%get3A_256] {strides = array<i32>} : memref<6656xf32, #tpu.memory_space<vmem>>, vector<16xf32>,
      %add3A_258 = arith.addf %add3A_253, %get3A_257 : vector<16xf32>
      %add3A_259 = arith.constant 6144 : i32
      %add3A_260 = arith.addi %add3A_259, %mul3A_242 : i32
      %get3A_261 = arith.index_cast %add3A_260 : i32 to index
      %get3A_262 = tpu.vector_load %arg7[%get3A_261] {strides = array<i32>} : memref<6656xf32, #tpu.memory_space<vmem>>, vector<16xf32>,
      %add3A_263 = arith.addf %add3A_258, %get3A_262 : vector<16xf32>
      %swap3A = arith.index_cast %mul3A_242 : i32 to index
      %swap3A_264 = tpu.vector_load %arg8[%swap3A] {strides = array<i32>} : memref<512xf32, #tpu.memory_space<vmem>>, vector<16xf32>,
      tpu.vector_store %arg8[%swap3A], %add3A_263 {strides = array<i32>} : memref<512xf32, #tpu.memory_space<vmem>>, vector<16xf32>,
    }
    %scan3A_239 = arith.constant 32 : i32
    "tpu.region"() ({
      %run_scoped3A = tpu.sem_alloc : memref<!tpu.dma_semaphore, #tpu.memory_space<semaphore_mem>>
      %dma_start3A_240 = tpu.memref_slice %arg5[%mul3A_2] : memref<16384xf32, #tpu.memory_space<hbm>> -> memref<512xf32, #tpu.memory_space<hbm>>
      %dma_start3A_241 = tpu.memref_slice %arg5[%mul3A_2] : memref<16384xf32, #tpu.memory_space<hbm>> -> memref<512xf32, #tpu.memory_space<hbm>>
      tpu.enqueue_dma source(%arg8 : memref<512xf32, #tpu.memory_space<vmem>>) target(%dma_start3A_241 : memref<512xf32, #tpu.memory_space<hbm>>) target_semaphore(%run_scoped3A : memref<!tpu.dma_semaphore, #tpu.memory_space<semaphore_mem>>)
      %dma_wait3A_242 = tpu.memref_slice %arg5[%mul3A_2] : memref<16384xf32, #tpu.memory_space<hbm>> -> memref<512xf32, #tpu.memory_space<hbm>>
      %dma_wait3A_243 = tpu.memref_slice %arg5[%mul3A_2] : memref<16384xf32, #tpu.memory_space<hbm>> -> memref<512xf32, #tpu.memory_space<hbm>>
      tpu.wait_dma2 semaphore(%run_scoped3A : memref<!tpu.dma_semaphore, #tpu.memory_space<semaphore_mem>>) src(%arg8 : memref<512xf32, #tpu.memory_space<vmem>>) dst(%dma_wait3A_243 : memref<512xf32, #tpu.memory_space<hbm>>)
      tpu.yield
    }) : () -> ()
    return
  }
}

#map = affine_map<(d0, d1) -> (0)>
module attributes {stable_mosaic.version = 14 : i64} {
  func.func @_sc_gather_half_body(%arg0: i32, %arg1: i32, %arg2: memref<425984xi32, #tpu.memory_space<hbm>>, %arg3: memref<16384xf32, #tpu.memory_space<hbm>>, %arg4: memref<1300000xf32, #tpu.memory_space<hbm>>, %arg5: memref<16384xf32, #tpu.memory_space<hbm>>, %arg6: memref<6656xi32, #tpu.memory_space<vmem>>, %arg7: memref<6656xf32, #tpu.memory_space<vmem>>, %arg8: memref<512xf32, #tpu.memory_space<vmem>>, %arg9: memref<!tpu.dma_semaphore, #tpu.memory_space<semaphore_mem>>, %arg10: memref<!tpu.dma_semaphore, #tpu.memory_space<semaphore_mem>>) attributes {dimension_semantics = [#tpu.dimension_semantics<core_parallel>, #tpu.dimension_semantics<subcore_parallel>], iteration_bounds = array<i64: 2, 16>, scalar_prefetch = 0 : i64, scratch_operands = 5 : i64, tpu.core_type = #tpu.core_type<sc_vector_subcore>, window_params = [{transform_indices = #map}, {transform_indices = #map}, {transform_indices = #map}, {transform_indices = #map}]} {
    %mul3A = arith.constant 2 : i32
    %mul3A_0 = arith.muli %arg1, %mul3A : i32
    %add3A = arith.addi %mul3A_0, %arg0 : i32
    %mul3A_1 = arith.constant 512 : i32
    %mul3A_2 = arith.muli %add3A, %mul3A_1 : i32
    %add3A_3 = arith.constant 212992 : i32
    %add3A_4 = arith.addi %add3A_3, %mul3A_2 : i32
    %dma_start3A = arith.constant 0 : i32
    %dma_start3A_5 = tpu.memref_slice %arg6[%dma_start3A] : memref<6656xi32, #tpu.memory_space<vmem>> -> memref<512xi32, #tpu.memory_space<vmem>>
    %dma_start3A_6 = tpu.memref_slice %arg2[%add3A_4] : memref<425984xi32, #tpu.memory_space<hbm>> -> memref<512xi32, #tpu.memory_space<hbm>>
    %dma_start3A_7 = arith.constant 0 : i32
    %dma_start3A_8 = tpu.memref_slice %arg6[%dma_start3A_7] : memref<6656xi32, #tpu.memory_space<vmem>> -> memref<512xi32, #tpu.memory_space<vmem>>
    %dma_start3A_9 = tpu.memref_slice %arg2[%add3A_4] : memref<425984xi32, #tpu.memory_space<hbm>> -> memref<512xi32, #tpu.memory_space<hbm>>
    tpu.enqueue_dma source(%dma_start3A_9 : memref<512xi32, #tpu.memory_space<hbm>>) target(%dma_start3A_8 : memref<512xi32, #tpu.memory_space<vmem>>) target_semaphore(%arg9 : memref<!tpu.dma_semaphore, #tpu.memory_space<semaphore_mem>>)
    %add3A_10 = arith.constant 229376 : i32
    %add3A_11 = arith.addi %add3A_10, %mul3A_2 : i32
    %dma_start3A_12 = arith.constant 512 : i32
    %dma_start3A_13 = tpu.memref_slice %arg6[%dma_start3A_12] : memref<6656xi32, #tpu.memory_space<vmem>> -> memref<512xi32, #tpu.memory_space<vmem>>
    %dma_start3A_14 = tpu.memref_slice %arg2[%add3A_11] : memref<425984xi32, #tpu.memory_space<hbm>> -> memref<512xi32, #tpu.memory_space<hbm>>
    %dma_start3A_15 = arith.constant 512 : i32
    %dma_start3A_16 = tpu.memref_slice %arg6[%dma_start3A_15] : memref<6656xi32, #tpu.memory_space<vmem>> -> memref<512xi32, #tpu.memory_space<vmem>>
    %dma_start3A_17 = tpu.memref_slice %arg2[%add3A_11] : memref<425984xi32, #tpu.memory_space<hbm>> -> memref<512xi32, #tpu.memory_space<hbm>>
    tpu.enqueue_dma source(%dma_start3A_17 : memref<512xi32, #tpu.memory_space<hbm>>) target(%dma_start3A_16 : memref<512xi32, #tpu.memory_space<vmem>>) target_semaphore(%arg9 : memref<!tpu.dma_semaphore, #tpu.memory_space<semaphore_mem>>)
    %add3A_18 = arith.constant 245760 : i32
    %add3A_19 = arith.addi %add3A_18, %mul3A_2 : i32
    %dma_start3A_20 = arith.constant 1024 : i32
    %dma_start3A_21 = tpu.memref_slice %arg6[%dma_start3A_20] : memref<6656xi32, #tpu.memory_space<vmem>> -> memref<512xi32, #tpu.memory_space<vmem>>
    %dma_start3A_22 = tpu.memref_slice %arg2[%add3A_19] : memref<425984xi32, #tpu.memory_space<hbm>> -> memref<512xi32, #tpu.memory_space<hbm>>
    %dma_start3A_23 = arith.constant 1024 : i32
    %dma_start3A_24 = tpu.memref_slice %arg6[%dma_start3A_23] : memref<6656xi32, #tpu.memory_space<vmem>> -> memref<512xi32, #tpu.memory_space<vmem>>
    %dma_start3A_25 = tpu.memref_slice %arg2[%add3A_19] : memref<425984xi32, #tpu.memory_space<hbm>> -> memref<512xi32, #tpu.memory_space<hbm>>
    tpu.enqueue_dma source(%dma_start3A_25 : memref<512xi32, #tpu.memory_space<hbm>>) target(%dma_start3A_24 : memref<512xi32, #tpu.memory_space<vmem>>) target_semaphore(%arg9 : memref<!tpu.dma_semaphore, #tpu.memory_space<semaphore_mem>>)
    %add3A_26 = arith.constant 262144 : i32
    %add3A_27 = arith.addi %add3A_26, %mul3A_2 : i32
    %dma_start3A_28 = arith.constant 1536 : i32
    %dma_start3A_29 = tpu.memref_slice %arg6[%dma_start3A_28] : memref<6656xi32, #tpu.memory_space<vmem>> -> memref<512xi32, #tpu.memory_space<vmem>>
    %dma_start3A_30 = tpu.memref_slice %arg2[%add3A_27] : memref<425984xi32, #tpu.memory_space<hbm>> -> memref<512xi32, #tpu.memory_space<hbm>>
    %dma_start3A_31 = arith.constant 1536 : i32
    %dma_start3A_32 = tpu.memref_slice %arg6[%dma_start3A_31] : memref<6656xi32, #tpu.memory_space<vmem>> -> memref<512xi32, #tpu.memory_space<vmem>>
    %dma_start3A_33 = tpu.memref_slice %arg2[%add3A_27] : memref<425984xi32, #tpu.memory_space<hbm>> -> memref<512xi32, #tpu.memory_space<hbm>>
    tpu.enqueue_dma source(%dma_start3A_33 : memref<512xi32, #tpu.memory_space<hbm>>) target(%dma_start3A_32 : memref<512xi32, #tpu.memory_space<vmem>>) target_semaphore(%arg9 : memref<!tpu.dma_semaphore, #tpu.memory_space<semaphore_mem>>)
    %add3A_34 = arith.constant 278528 : i32
    %add3A_35 = arith.addi %add3A_34, %mul3A_2 : i32
    %dma_start3A_36 = arith.constant 2048 : i32
    %dma_start3A_37 = tpu.memref_slice %arg6[%dma_start3A_36] : memref<6656xi32, #tpu.memory_space<vmem>> -> memref<512xi32, #tpu.memory_space<vmem>>
    %dma_start3A_38 = tpu.memref_slice %arg2[%add3A_35] : memref<425984xi32, #tpu.memory_space<hbm>> -> memref<512xi32, #tpu.memory_space<hbm>>
    %dma_start3A_39 = arith.constant 2048 : i32
    %dma_start3A_40 = tpu.memref_slice %arg6[%dma_start3A_39] : memref<6656xi32, #tpu.memory_space<vmem>> -> memref<512xi32, #tpu.memory_space<vmem>>
    %dma_start3A_41 = tpu.memref_slice %arg2[%add3A_35] : memref<425984xi32, #tpu.memory_space<hbm>> -> memref<512xi32, #tpu.memory_space<hbm>>
    tpu.enqueue_dma source(%dma_start3A_41 : memref<512xi32, #tpu.memory_space<hbm>>) target(%dma_start3A_40 : memref<512xi32, #tpu.memory_space<vmem>>) target_semaphore(%arg9 : memref<!tpu.dma_semaphore, #tpu.memory_space<semaphore_mem>>)
    %add3A_42 = arith.constant 294912 : i32
    %add3A_43 = arith.addi %add3A_42, %mul3A_2 : i32
    %dma_start3A_44 = arith.constant 2560 : i32
    %dma_start3A_45 = tpu.memref_slice %arg6[%dma_start3A_44] : memref<6656xi32, #tpu.memory_space<vmem>> -> memref<512xi32, #tpu.memory_space<vmem>>
    %dma_start3A_46 = tpu.memref_slice %arg2[%add3A_43] : memref<425984xi32, #tpu.memory_space<hbm>> -> memref<512xi32, #tpu.memory_space<hbm>>
    %dma_start3A_47 = arith.constant 2560 : i32
    %dma_start3A_48 = tpu.memref_slice %arg6[%dma_start3A_47] : memref<6656xi32, #tpu.memory_space<vmem>> -> memref<512xi32, #tpu.memory_space<vmem>>
    %dma_start3A_49 = tpu.memref_slice %arg2[%add3A_43] : memref<425984xi32, #tpu.memory_space<hbm>> -> memref<512xi32, #tpu.memory_space<hbm>>
    tpu.enqueue_dma source(%dma_start3A_49 : memref<512xi32, #tpu.memory_space<hbm>>) target(%dma_start3A_48 : memref<512xi32, #tpu.memory_space<vmem>>) target_semaphore(%arg9 : memref<!tpu.dma_semaphore, #tpu.memory_space<semaphore_mem>>)
    %add3A_50 = arith.constant 311296 : i32
    %add3A_51 = arith.addi %add3A_50, %mul3A_2 : i32
    %dma_start3A_52 = arith.constant 3072 : i32
    %dma_start3A_53 = tpu.memref_slice %arg6[%dma_start3A_52] : memref<6656xi32, #tpu.memory_space<vmem>> -> memref<512xi32, #tpu.memory_space<vmem>>
    %dma_start3A_54 = tpu.memref_slice %arg2[%add3A_51] : memref<425984xi32, #tpu.memory_space<hbm>> -> memref<512xi32, #tpu.memory_space<hbm>>
    %dma_start3A_55 = arith.constant 3072 : i32
    %dma_start3A_56 = tpu.memref_slice %arg6[%dma_start3A_55] : memref<6656xi32, #tpu.memory_space<vmem>> -> memref<512xi32, #tpu.memory_space<vmem>>
    %dma_start3A_57 = tpu.memref_slice %arg2[%add3A_51] : memref<425984xi32, #tpu.memory_space<hbm>> -> memref<512xi32, #tpu.memory_space<hbm>>
    tpu.enqueue_dma source(%dma_start3A_57 : memref<512xi32, #tpu.memory_space<hbm>>) target(%dma_start3A_56 : memref<512xi32, #tpu.memory_space<vmem>>) target_semaphore(%arg9 : memref<!tpu.dma_semaphore, #tpu.memory_space<semaphore_mem>>)
    %add3A_58 = arith.constant 327680 : i32
    %add3A_59 = arith.addi %add3A_58, %mul3A_2 : i32
    %dma_start3A_60 = arith.constant 3584 : i32
    %dma_start3A_61 = tpu.memref_slice %arg6[%dma_start3A_60] : memref<6656xi32, #tpu.memory_space<vmem>> -> memref<512xi32, #tpu.memory_space<vmem>>
    %dma_start3A_62 = tpu.memref_slice %arg2[%add3A_59] : memref<425984xi32, #tpu.memory_space<hbm>> -> memref<512xi32, #tpu.memory_space<hbm>>
    %dma_start3A_63 = arith.constant 3584 : i32
    %dma_start3A_64 = tpu.memref_slice %arg6[%dma_start3A_63] : memref<6656xi32, #tpu.memory_space<vmem>> -> memref<512xi32, #tpu.memory_space<vmem>>
    %dma_start3A_65 = tpu.memref_slice %arg2[%add3A_59] : memref<425984xi32, #tpu.memory_space<hbm>> -> memref<512xi32, #tpu.memory_space<hbm>>
    tpu.enqueue_dma source(%dma_start3A_65 : memref<512xi32, #tpu.memory_space<hbm>>) target(%dma_start3A_64 : memref<512xi32, #tpu.memory_space<vmem>>) target_semaphore(%arg9 : memref<!tpu.dma_semaphore, #tpu.memory_space<semaphore_mem>>)
    %add3A_66 = arith.constant 344064 : i32
    %add3A_67 = arith.addi %add3A_66, %mul3A_2 : i32
    %dma_start3A_68 = arith.constant 4096 : i32
    %dma_start3A_69 = tpu.memref_slice %arg6[%dma_start3A_68] : memref<6656xi32, #tpu.memory_space<vmem>> -> memref<512xi32, #tpu.memory_space<vmem>>
    %dma_start3A_70 = tpu.memref_slice %arg2[%add3A_67] : memref<425984xi32, #tpu.memory_space<hbm>> -> memref<512xi32, #tpu.memory_space<hbm>>
    %dma_start3A_71 = arith.constant 4096 : i32
    %dma_start3A_72 = tpu.memref_slice %arg6[%dma_start3A_71] : memref<6656xi32, #tpu.memory_space<vmem>> -> memref<512xi32, #tpu.memory_space<vmem>>
    %dma_start3A_73 = tpu.memref_slice %arg2[%add3A_67] : memref<425984xi32, #tpu.memory_space<hbm>> -> memref<512xi32, #tpu.memory_space<hbm>>
    tpu.enqueue_dma source(%dma_start3A_73 : memref<512xi32, #tpu.memory_space<hbm>>) target(%dma_start3A_72 : memref<512xi32, #tpu.memory_space<vmem>>) target_semaphore(%arg9 : memref<!tpu.dma_semaphore, #tpu.memory_space<semaphore_mem>>)
    %add3A_74 = arith.constant 360448 : i32
    %add3A_75 = arith.addi %add3A_74, %mul3A_2 : i32
    %dma_start3A_76 = arith.constant 4608 : i32
    %dma_start3A_77 = tpu.memref_slice %arg6[%dma_start3A_76] : memref<6656xi32, #tpu.memory_space<vmem>> -> memref<512xi32, #tpu.memory_space<vmem>>
    %dma_start3A_78 = tpu.memref_slice %arg2[%add3A_75] : memref<425984xi32, #tpu.memory_space<hbm>> -> memref<512xi32, #tpu.memory_space<hbm>>
    %dma_start3A_79 = arith.constant 4608 : i32
    %dma_start3A_80 = tpu.memref_slice %arg6[%dma_start3A_79] : memref<6656xi32, #tpu.memory_space<vmem>> -> memref<512xi32, #tpu.memory_space<vmem>>
    %dma_start3A_81 = tpu.memref_slice %arg2[%add3A_75] : memref<425984xi32, #tpu.memory_space<hbm>> -> memref<512xi32, #tpu.memory_space<hbm>>
    tpu.enqueue_dma source(%dma_start3A_81 : memref<512xi32, #tpu.memory_space<hbm>>) target(%dma_start3A_80 : memref<512xi32, #tpu.memory_space<vmem>>) target_semaphore(%arg9 : memref<!tpu.dma_semaphore, #tpu.memory_space<semaphore_mem>>)
    %add3A_82 = arith.constant 376832 : i32
    %add3A_83 = arith.addi %add3A_82, %mul3A_2 : i32
    %dma_start3A_84 = arith.constant 5120 : i32
    %dma_start3A_85 = tpu.memref_slice %arg6[%dma_start3A_84] : memref<6656xi32, #tpu.memory_space<vmem>> -> memref<512xi32, #tpu.memory_space<vmem>>
    %dma_start3A_86 = tpu.memref_slice %arg2[%add3A_83] : memref<425984xi32, #tpu.memory_space<hbm>> -> memref<512xi32, #tpu.memory_space<hbm>>
    %dma_start3A_87 = arith.constant 5120 : i32
    %dma_start3A_88 = tpu.memref_slice %arg6[%dma_start3A_87] : memref<6656xi32, #tpu.memory_space<vmem>> -> memref<512xi32, #tpu.memory_space<vmem>>
    %dma_start3A_89 = tpu.memref_slice %arg2[%add3A_83] : memref<425984xi32, #tpu.memory_space<hbm>> -> memref<512xi32, #tpu.memory_space<hbm>>
    tpu.enqueue_dma source(%dma_start3A_89 : memref<512xi32, #tpu.memory_space<hbm>>) target(%dma_start3A_88 : memref<512xi32, #tpu.memory_space<vmem>>) target_semaphore(%arg9 : memref<!tpu.dma_semaphore, #tpu.memory_space<semaphore_mem>>)
    %add3A_90 = arith.constant 393216 : i32
    %add3A_91 = arith.addi %add3A_90, %mul3A_2 : i32
    %dma_start3A_92 = arith.constant 5632 : i32
    %dma_start3A_93 = tpu.memref_slice %arg6[%dma_start3A_92] : memref<6656xi32, #tpu.memory_space<vmem>> -> memref<512xi32, #tpu.memory_space<vmem>>
    %dma_start3A_94 = tpu.memref_slice %arg2[%add3A_91] : memref<425984xi32, #tpu.memory_space<hbm>> -> memref<512xi32, #tpu.memory_space<hbm>>
    %dma_start3A_95 = arith.constant 5632 : i32
    %dma_start3A_96 = tpu.memref_slice %arg6[%dma_start3A_95] : memref<6656xi32, #tpu.memory_space<vmem>> -> memref<512xi32, #tpu.memory_space<vmem>>
    %dma_start3A_97 = tpu.memref_slice %arg2[%add3A_91] : memref<425984xi32, #tpu.memory_space<hbm>> -> memref<512xi32, #tpu.memory_space<hbm>>
    tpu.enqueue_dma source(%dma_start3A_97 : memref<512xi32, #tpu.memory_space<hbm>>) target(%dma_start3A_96 : memref<512xi32, #tpu.memory_space<vmem>>) target_semaphore(%arg9 : memref<!tpu.dma_semaphore, #tpu.memory_space<semaphore_mem>>)
    %add3A_98 = arith.constant 409600 : i32
    %add3A_99 = arith.addi %add3A_98, %mul3A_2 : i32
    %dma_start3A_100 = arith.constant 6144 : i32
    %dma_start3A_101 = tpu.memref_slice %arg6[%dma_start3A_100] : memref<6656xi32, #tpu.memory_space<vmem>> -> memref<512xi32, #tpu.memory_space<vmem>>
    %dma_start3A_102 = tpu.memref_slice %arg2[%add3A_99] : memref<425984xi32, #tpu.memory_space<hbm>> -> memref<512xi32, #tpu.memory_space<hbm>>
    %dma_start3A_103 = arith.constant 6144 : i32
    %dma_start3A_104 = tpu.memref_slice %arg6[%dma_start3A_103] : memref<6656xi32, #tpu.memory_space<vmem>> -> memref<512xi32, #tpu.memory_space<vmem>>
    %dma_start3A_105 = tpu.memref_slice %arg2[%add3A_99] : memref<425984xi32, #tpu.memory_space<hbm>> -> memref<512xi32, #tpu.memory_space<hbm>>
    tpu.enqueue_dma source(%dma_start3A_105 : memref<512xi32, #tpu.memory_space<hbm>>) target(%dma_start3A_104 : memref<512xi32, #tpu.memory_space<vmem>>) target_semaphore(%arg9 : memref<!tpu.dma_semaphore, #tpu.memory_space<semaphore_mem>>)
    %dma_start3A_106 = tpu.memref_slice %arg3[%mul3A_2] : memref<16384xf32, #tpu.memory_space<hbm>> -> memref<512xf32, #tpu.memory_space<hbm>>
    %dma_start3A_107 = tpu.memref_slice %arg3[%mul3A_2] : memref<16384xf32, #tpu.memory_space<hbm>> -> memref<512xf32, #tpu.memory_space<hbm>>
    tpu.enqueue_dma source(%dma_start3A_107 : memref<512xf32, #tpu.memory_space<hbm>>) target(%arg8 : memref<512xf32, #tpu.memory_space<vmem>>) target_semaphore(%arg10 : memref<!tpu.dma_semaphore, #tpu.memory_space<semaphore_mem>>)
    %dma_wait3A = arith.constant 0 : i32
    %dma_wait3A_108 = tpu.memref_slice %arg6[%dma_wait3A] : memref<6656xi32, #tpu.memory_space<vmem>> -> memref<512xi32, #tpu.memory_space<vmem>>
    %dma_wait3A_109 = tpu.memref_slice %arg2[%add3A_4] : memref<425984xi32, #tpu.memory_space<hbm>> -> memref<512xi32, #tpu.memory_space<hbm>>
    %dma_wait3A_110 = arith.constant 0 : i32
    %dma_wait3A_111 = tpu.memref_slice %arg6[%dma_wait3A_110] : memref<6656xi32, #tpu.memory_space<vmem>> -> memref<512xi32, #tpu.memory_space<vmem>>
    %dma_wait3A_112 = tpu.memref_slice %arg2[%add3A_4] : memref<425984xi32, #tpu.memory_space<hbm>> -> memref<512xi32, #tpu.memory_space<hbm>>
    tpu.wait_dma2 semaphore(%arg9 : memref<!tpu.dma_semaphore, #tpu.memory_space<semaphore_mem>>) src(%dma_wait3A_112 : memref<512xi32, #tpu.memory_space<hbm>>) dst(%dma_wait3A_111 : memref<512xi32, #tpu.memory_space<vmem>>)
    %dma_wait3A_113 = arith.constant 512 : i32
    %dma_wait3A_114 = tpu.memref_slice %arg6[%dma_wait3A_113] : memref<6656xi32, #tpu.memory_space<vmem>> -> memref<512xi32, #tpu.memory_space<vmem>>
    %dma_wait3A_115 = tpu.memref_slice %arg2[%add3A_11] : memref<425984xi32, #tpu.memory_space<hbm>> -> memref<512xi32, #tpu.memory_space<hbm>>
    %dma_wait3A_116 = arith.constant 512 : i32
    %dma_wait3A_117 = tpu.memref_slice %arg6[%dma_wait3A_116] : memref<6656xi32, #tpu.memory_space<vmem>> -> memref<512xi32, #tpu.memory_space<vmem>>
    %dma_wait3A_118 = tpu.memref_slice %arg2[%add3A_11] : memref<425984xi32, #tpu.memory_space<hbm>> -> memref<512xi32, #tpu.memory_space<hbm>>
    tpu.wait_dma2 semaphore(%arg9 : memref<!tpu.dma_semaphore, #tpu.memory_space<semaphore_mem>>) src(%dma_wait3A_118 : memref<512xi32, #tpu.memory_space<hbm>>) dst(%dma_wait3A_117 : memref<512xi32, #tpu.memory_space<vmem>>)
    %dma_wait3A_119 = arith.constant 1024 : i32
    %dma_wait3A_120 = tpu.memref_slice %arg6[%dma_wait3A_119] : memref<6656xi32, #tpu.memory_space<vmem>> -> memref<512xi32, #tpu.memory_space<vmem>>
    %dma_wait3A_121 = tpu.memref_slice %arg2[%add3A_19] : memref<425984xi32, #tpu.memory_space<hbm>> -> memref<512xi32, #tpu.memory_space<hbm>>
    %dma_wait3A_122 = arith.constant 1024 : i32
    %dma_wait3A_123 = tpu.memref_slice %arg6[%dma_wait3A_122] : memref<6656xi32, #tpu.memory_space<vmem>> -> memref<512xi32, #tpu.memory_space<vmem>>
    %dma_wait3A_124 = tpu.memref_slice %arg2[%add3A_19] : memref<425984xi32, #tpu.memory_space<hbm>> -> memref<512xi32, #tpu.memory_space<hbm>>
    tpu.wait_dma2 semaphore(%arg9 : memref<!tpu.dma_semaphore, #tpu.memory_space<semaphore_mem>>) src(%dma_wait3A_124 : memref<512xi32, #tpu.memory_space<hbm>>) dst(%dma_wait3A_123 : memref<512xi32, #tpu.memory_space<vmem>>)
    %dma_wait3A_125 = arith.constant 1536 : i32
    %dma_wait3A_126 = tpu.memref_slice %arg6[%dma_wait3A_125] : memref<6656xi32, #tpu.memory_space<vmem>> -> memref<512xi32, #tpu.memory_space<vmem>>
    %dma_wait3A_127 = tpu.memref_slice %arg2[%add3A_27] : memref<425984xi32, #tpu.memory_space<hbm>> -> memref<512xi32, #tpu.memory_space<hbm>>
    %dma_wait3A_128 = arith.constant 1536 : i32
    %dma_wait3A_129 = tpu.memref_slice %arg6[%dma_wait3A_128] : memref<6656xi32, #tpu.memory_space<vmem>> -> memref<512xi32, #tpu.memory_space<vmem>>
    %dma_wait3A_130 = tpu.memref_slice %arg2[%add3A_27] : memref<425984xi32, #tpu.memory_space<hbm>> -> memref<512xi32, #tpu.memory_space<hbm>>
    tpu.wait_dma2 semaphore(%arg9 : memref<!tpu.dma_semaphore, #tpu.memory_space<semaphore_mem>>) src(%dma_wait3A_130 : memref<512xi32, #tpu.memory_space<hbm>>) dst(%dma_wait3A_129 : memref<512xi32, #tpu.memory_space<vmem>>)
    %dma_wait3A_131 = arith.constant 2048 : i32
    %dma_wait3A_132 = tpu.memref_slice %arg6[%dma_wait3A_131] : memref<6656xi32, #tpu.memory_space<vmem>> -> memref<512xi32, #tpu.memory_space<vmem>>
    %dma_wait3A_133 = tpu.memref_slice %arg2[%add3A_35] : memref<425984xi32, #tpu.memory_space<hbm>> -> memref<512xi32, #tpu.memory_space<hbm>>
    %dma_wait3A_134 = arith.constant 2048 : i32
    %dma_wait3A_135 = tpu.memref_slice %arg6[%dma_wait3A_134] : memref<6656xi32, #tpu.memory_space<vmem>> -> memref<512xi32, #tpu.memory_space<vmem>>
    %dma_wait3A_136 = tpu.memref_slice %arg2[%add3A_35] : memref<425984xi32, #tpu.memory_space<hbm>> -> memref<512xi32, #tpu.memory_space<hbm>>
    tpu.wait_dma2 semaphore(%arg9 : memref<!tpu.dma_semaphore, #tpu.memory_space<semaphore_mem>>) src(%dma_wait3A_136 : memref<512xi32, #tpu.memory_space<hbm>>) dst(%dma_wait3A_135 : memref<512xi32, #tpu.memory_space<vmem>>)
    %dma_wait3A_137 = arith.constant 2560 : i32
    %dma_wait3A_138 = tpu.memref_slice %arg6[%dma_wait3A_137] : memref<6656xi32, #tpu.memory_space<vmem>> -> memref<512xi32, #tpu.memory_space<vmem>>
    %dma_wait3A_139 = tpu.memref_slice %arg2[%add3A_43] : memref<425984xi32, #tpu.memory_space<hbm>> -> memref<512xi32, #tpu.memory_space<hbm>>
    %dma_wait3A_140 = arith.constant 2560 : i32
    %dma_wait3A_141 = tpu.memref_slice %arg6[%dma_wait3A_140] : memref<6656xi32, #tpu.memory_space<vmem>> -> memref<512xi32, #tpu.memory_space<vmem>>
    %dma_wait3A_142 = tpu.memref_slice %arg2[%add3A_43] : memref<425984xi32, #tpu.memory_space<hbm>> -> memref<512xi32, #tpu.memory_space<hbm>>
    tpu.wait_dma2 semaphore(%arg9 : memref<!tpu.dma_semaphore, #tpu.memory_space<semaphore_mem>>) src(%dma_wait3A_142 : memref<512xi32, #tpu.memory_space<hbm>>) dst(%dma_wait3A_141 : memref<512xi32, #tpu.memory_space<vmem>>)
    %dma_wait3A_143 = arith.constant 3072 : i32
    %dma_wait3A_144 = tpu.memref_slice %arg6[%dma_wait3A_143] : memref<6656xi32, #tpu.memory_space<vmem>> -> memref<512xi32, #tpu.memory_space<vmem>>
    %dma_wait3A_145 = tpu.memref_slice %arg2[%add3A_51] : memref<425984xi32, #tpu.memory_space<hbm>> -> memref<512xi32, #tpu.memory_space<hbm>>
    %dma_wait3A_146 = arith.constant 3072 : i32
    %dma_wait3A_147 = tpu.memref_slice %arg6[%dma_wait3A_146] : memref<6656xi32, #tpu.memory_space<vmem>> -> memref<512xi32, #tpu.memory_space<vmem>>
    %dma_wait3A_148 = tpu.memref_slice %arg2[%add3A_51] : memref<425984xi32, #tpu.memory_space<hbm>> -> memref<512xi32, #tpu.memory_space<hbm>>
    tpu.wait_dma2 semaphore(%arg9 : memref<!tpu.dma_semaphore, #tpu.memory_space<semaphore_mem>>) src(%dma_wait3A_148 : memref<512xi32, #tpu.memory_space<hbm>>) dst(%dma_wait3A_147 : memref<512xi32, #tpu.memory_space<vmem>>)
    %dma_wait3A_149 = arith.constant 3584 : i32
    %dma_wait3A_150 = tpu.memref_slice %arg6[%dma_wait3A_149] : memref<6656xi32, #tpu.memory_space<vmem>> -> memref<512xi32, #tpu.memory_space<vmem>>
    %dma_wait3A_151 = tpu.memref_slice %arg2[%add3A_59] : memref<425984xi32, #tpu.memory_space<hbm>> -> memref<512xi32, #tpu.memory_space<hbm>>
    %dma_wait3A_152 = arith.constant 3584 : i32
    %dma_wait3A_153 = tpu.memref_slice %arg6[%dma_wait3A_152] : memref<6656xi32, #tpu.memory_space<vmem>> -> memref<512xi32, #tpu.memory_space<vmem>>
    %dma_wait3A_154 = tpu.memref_slice %arg2[%add3A_59] : memref<425984xi32, #tpu.memory_space<hbm>> -> memref<512xi32, #tpu.memory_space<hbm>>
    tpu.wait_dma2 semaphore(%arg9 : memref<!tpu.dma_semaphore, #tpu.memory_space<semaphore_mem>>) src(%dma_wait3A_154 : memref<512xi32, #tpu.memory_space<hbm>>) dst(%dma_wait3A_153 : memref<512xi32, #tpu.memory_space<vmem>>)
    %dma_wait3A_155 = arith.constant 4096 : i32
    %dma_wait3A_156 = tpu.memref_slice %arg6[%dma_wait3A_155] : memref<6656xi32, #tpu.memory_space<vmem>> -> memref<512xi32, #tpu.memory_space<vmem>>
    %dma_wait3A_157 = tpu.memref_slice %arg2[%add3A_67] : memref<425984xi32, #tpu.memory_space<hbm>> -> memref<512xi32, #tpu.memory_space<hbm>>
    %dma_wait3A_158 = arith.constant 4096 : i32
    %dma_wait3A_159 = tpu.memref_slice %arg6[%dma_wait3A_158] : memref<6656xi32, #tpu.memory_space<vmem>> -> memref<512xi32, #tpu.memory_space<vmem>>
    %dma_wait3A_160 = tpu.memref_slice %arg2[%add3A_67] : memref<425984xi32, #tpu.memory_space<hbm>> -> memref<512xi32, #tpu.memory_space<hbm>>
    tpu.wait_dma2 semaphore(%arg9 : memref<!tpu.dma_semaphore, #tpu.memory_space<semaphore_mem>>) src(%dma_wait3A_160 : memref<512xi32, #tpu.memory_space<hbm>>) dst(%dma_wait3A_159 : memref<512xi32, #tpu.memory_space<vmem>>)
    %dma_wait3A_161 = arith.constant 4608 : i32
    %dma_wait3A_162 = tpu.memref_slice %arg6[%dma_wait3A_161] : memref<6656xi32, #tpu.memory_space<vmem>> -> memref<512xi32, #tpu.memory_space<vmem>>
    %dma_wait3A_163 = tpu.memref_slice %arg2[%add3A_75] : memref<425984xi32, #tpu.memory_space<hbm>> -> memref<512xi32, #tpu.memory_space<hbm>>
    %dma_wait3A_164 = arith.constant 4608 : i32
    %dma_wait3A_165 = tpu.memref_slice %arg6[%dma_wait3A_164] : memref<6656xi32, #tpu.memory_space<vmem>> -> memref<512xi32, #tpu.memory_space<vmem>>
    %dma_wait3A_166 = tpu.memref_slice %arg2[%add3A_75] : memref<425984xi32, #tpu.memory_space<hbm>> -> memref<512xi32, #tpu.memory_space<hbm>>
    tpu.wait_dma2 semaphore(%arg9 : memref<!tpu.dma_semaphore, #tpu.memory_space<semaphore_mem>>) src(%dma_wait3A_166 : memref<512xi32, #tpu.memory_space<hbm>>) dst(%dma_wait3A_165 : memref<512xi32, #tpu.memory_space<vmem>>)
    %dma_wait3A_167 = arith.constant 5120 : i32
    %dma_wait3A_168 = tpu.memref_slice %arg6[%dma_wait3A_167] : memref<6656xi32, #tpu.memory_space<vmem>> -> memref<512xi32, #tpu.memory_space<vmem>>
    %dma_wait3A_169 = tpu.memref_slice %arg2[%add3A_83] : memref<425984xi32, #tpu.memory_space<hbm>> -> memref<512xi32, #tpu.memory_space<hbm>>
    %dma_wait3A_170 = arith.constant 5120 : i32
    %dma_wait3A_171 = tpu.memref_slice %arg6[%dma_wait3A_170] : memref<6656xi32, #tpu.memory_space<vmem>> -> memref<512xi32, #tpu.memory_space<vmem>>
    %dma_wait3A_172 = tpu.memref_slice %arg2[%add3A_83] : memref<425984xi32, #tpu.memory_space<hbm>> -> memref<512xi32, #tpu.memory_space<hbm>>
    tpu.wait_dma2 semaphore(%arg9 : memref<!tpu.dma_semaphore, #tpu.memory_space<semaphore_mem>>) src(%dma_wait3A_172 : memref<512xi32, #tpu.memory_space<hbm>>) dst(%dma_wait3A_171 : memref<512xi32, #tpu.memory_space<vmem>>)
    %dma_wait3A_173 = arith.constant 5632 : i32
    %dma_wait3A_174 = tpu.memref_slice %arg6[%dma_wait3A_173] : memref<6656xi32, #tpu.memory_space<vmem>> -> memref<512xi32, #tpu.memory_space<vmem>>
    %dma_wait3A_175 = tpu.memref_slice %arg2[%add3A_91] : memref<425984xi32, #tpu.memory_space<hbm>> -> memref<512xi32, #tpu.memory_space<hbm>>
    %dma_wait3A_176 = arith.constant 5632 : i32
    %dma_wait3A_177 = tpu.memref_slice %arg6[%dma_wait3A_176] : memref<6656xi32, #tpu.memory_space<vmem>> -> memref<512xi32, #tpu.memory_space<vmem>>
    %dma_wait3A_178 = tpu.memref_slice %arg2[%add3A_91] : memref<425984xi32, #tpu.memory_space<hbm>> -> memref<512xi32, #tpu.memory_space<hbm>>
    tpu.wait_dma2 semaphore(%arg9 : memref<!tpu.dma_semaphore, #tpu.memory_space<semaphore_mem>>) src(%dma_wait3A_178 : memref<512xi32, #tpu.memory_space<hbm>>) dst(%dma_wait3A_177 : memref<512xi32, #tpu.memory_space<vmem>>)
    %dma_wait3A_179 = arith.constant 6144 : i32
    %dma_wait3A_180 = tpu.memref_slice %arg6[%dma_wait3A_179] : memref<6656xi32, #tpu.memory_space<vmem>> -> memref<512xi32, #tpu.memory_space<vmem>>
    %dma_wait3A_181 = tpu.memref_slice %arg2[%add3A_99] : memref<425984xi32, #tpu.memory_space<hbm>> -> memref<512xi32, #tpu.memory_space<hbm>>
    %dma_wait3A_182 = arith.constant 6144 : i32
    %dma_wait3A_183 = tpu.memref_slice %arg6[%dma_wait3A_182] : memref<6656xi32, #tpu.memory_space<vmem>> -> memref<512xi32, #tpu.memory_space<vmem>>
    %dma_wait3A_184 = tpu.memref_slice %arg2[%add3A_99] : memref<425984xi32, #tpu.memory_space<hbm>> -> memref<512xi32, #tpu.memory_space<hbm>>
    tpu.wait_dma2 semaphore(%arg9 : memref<!tpu.dma_semaphore, #tpu.memory_space<semaphore_mem>>) src(%dma_wait3A_184 : memref<512xi32, #tpu.memory_space<hbm>>) dst(%dma_wait3A_183 : memref<512xi32, #tpu.memory_space<vmem>>)
    %dma_wait3A_185 = tpu.memref_slice %arg3[%mul3A_2] : memref<16384xf32, #tpu.memory_space<hbm>> -> memref<512xf32, #tpu.memory_space<hbm>>
    %dma_wait3A_186 = tpu.memref_slice %arg3[%mul3A_2] : memref<16384xf32, #tpu.memory_space<hbm>> -> memref<512xf32, #tpu.memory_space<hbm>>
    tpu.wait_dma2 semaphore(%arg10 : memref<!tpu.dma_semaphore, #tpu.memory_space<semaphore_mem>>) src(%dma_wait3A_186 : memref<512xf32, #tpu.memory_space<hbm>>) dst(%arg8 : memref<512xf32, #tpu.memory_space<vmem>>)
    %dma_start3A_187 = arith.constant 0 : i32
    %dma_start3A_188 = tpu.memref_slice %arg7[%dma_start3A_187] : memref<6656xf32, #tpu.memory_space<vmem>> -> memref<2560xf32, #tpu.memory_space<vmem>>
    %dma_start3A_189 = arith.constant 0 : i32
    %dma_start3A_190 = tpu.memref_slice %arg6[%dma_start3A_189] : memref<6656xi32, #tpu.memory_space<vmem>> -> memref<2560xi32, #tpu.memory_space<vmem>>
    %dma_start3A_191 = arith.constant 0 : i32
    %dma_start3A_192 = tpu.memref_slice %arg4[%dma_start3A_191] : memref<1300000xf32, #tpu.memory_space<hbm>> -> memref<1300000xf32, #tpu.memory_space<hbm>>
    tpu.enqueue_indirect_dma source(%dma_start3A_192 : memref<1300000xf32, #tpu.memory_space<hbm>>) target(%dma_start3A_188 : memref<2560xf32, #tpu.memory_space<vmem>>) offsets(%dma_start3A_190 : memref<2560xi32, #tpu.memory_space<vmem>>) semaphore(%arg9 : memref<!tpu.dma_semaphore, #tpu.memory_space<semaphore_mem>>)
    %dma_start3A_193 = arith.constant 2560 : i32
    %dma_start3A_194 = tpu.memref_slice %arg7[%dma_start3A_193] : memref<6656xf32, #tpu.memory_space<vmem>> -> memref<2048xf32, #tpu.memory_space<vmem>>
    %dma_start3A_195 = arith.constant 2560 : i32
    %dma_start3A_196 = tpu.memref_slice %arg6[%dma_start3A_195] : memref<6656xi32, #tpu.memory_space<vmem>> -> memref<2048xi32, #tpu.memory_space<vmem>>
    %dma_start3A_197 = arith.constant 0 : i32
    %dma_start3A_198 = tpu.memref_slice %arg4[%dma_start3A_197] : memref<1300000xf32, #tpu.memory_space<hbm>> -> memref<1300000xf32, #tpu.memory_space<hbm>>
    tpu.enqueue_indirect_dma source(%dma_start3A_198 : memref<1300000xf32, #tpu.memory_space<hbm>>) target(%dma_start3A_194 : memref<2048xf32, #tpu.memory_space<vmem>>) offsets(%dma_start3A_196 : memref<2048xi32, #tpu.memory_space<vmem>>) semaphore(%arg10 : memref<!tpu.dma_semaphore, #tpu.memory_space<semaphore_mem>>)
    %dma_wait3A_199 = arith.constant 0 : i32
    %dma_wait3A_200 = tpu.memref_slice %arg7[%dma_wait3A_199] : memref<6656xf32, #tpu.memory_space<vmem>> -> memref<2560xf32, #tpu.memory_space<vmem>>
    %dma_wait3A_201 = arith.constant 0 : i32
    %dma_wait3A_202 = tpu.memref_slice %arg6[%dma_wait3A_201] : memref<6656xi32, #tpu.memory_space<vmem>> -> memref<2560xi32, #tpu.memory_space<vmem>>
    %dma_wait3A_203 = arith.constant 0 : i32
    %dma_wait3A_204 = tpu.memref_slice %arg4[%dma_wait3A_203] : memref<1300000xf32, #tpu.memory_space<hbm>> -> memref<1300000xf32, #tpu.memory_space<hbm>>
    tpu.wait_indirect_dma semaphore(%arg9 : memref<!tpu.dma_semaphore, #tpu.memory_space<semaphore_mem>>) src(%dma_wait3A_204 : memref<1300000xf32, #tpu.memory_space<hbm>>) dst(%dma_wait3A_200 : memref<2560xf32, #tpu.memory_space<vmem>>)
    %scan3A = arith.constant 0 : i32
    %scan3A_205 = arith.constant 0 : i32
    %scan3A_206 = arith.constant 32 : i32
    %scan3A_207 = arith.addi %scan3A_205, %scan3A_206 : i32
    %scan3A_208 = arith.constant 1 : i32
    scf.for %scan3A_240 = %scan3A_205 to %scan3A_207 step %scan3A_208  : i32 {
      %mul3A_241 = arith.constant 16 : i32
      %mul3A_242 = arith.muli %scan3A_240, %mul3A_241 : i32
      %get3A = arith.index_cast %mul3A_242 : i32 to index
      %get3A_243 = tpu.vector_load %arg8[%get3A] {strides = array<i32>} : memref<512xf32, #tpu.memory_space<vmem>>, vector<16xf32>,
      %add3A_244 = arith.constant 0 : i32
      %add3A_245 = arith.addi %add3A_244, %mul3A_242 : i32
      %get3A_246 = arith.index_cast %add3A_245 : i32 to index
      %get3A_247 = tpu.vector_load %arg7[%get3A_246] {strides = array<i32>} : memref<6656xf32, #tpu.memory_space<vmem>>, vector<16xf32>,
      %add3A_248 = arith.addf %get3A_243, %get3A_247 : vector<16xf32>
      %add3A_249 = arith.constant 512 : i32
      %add3A_250 = arith.addi %add3A_249, %mul3A_242 : i32
      %get3A_251 = arith.index_cast %add3A_250 : i32 to index
      %get3A_252 = tpu.vector_load %arg7[%get3A_251] {strides = array<i32>} : memref<6656xf32, #tpu.memory_space<vmem>>, vector<16xf32>,
      %add3A_253 = arith.addf %add3A_248, %get3A_252 : vector<16xf32>
      %add3A_254 = arith.constant 1024 : i32
      %add3A_255 = arith.addi %add3A_254, %mul3A_242 : i32
      %get3A_256 = arith.index_cast %add3A_255 : i32 to index
      %get3A_257 = tpu.vector_load %arg7[%get3A_256] {strides = array<i32>} : memref<6656xf32, #tpu.memory_space<vmem>>, vector<16xf32>,
      %add3A_258 = arith.addf %add3A_253, %get3A_257 : vector<16xf32>
      %add3A_259 = arith.constant 1536 : i32
      %add3A_260 = arith.addi %add3A_259, %mul3A_242 : i32
      %get3A_261 = arith.index_cast %add3A_260 : i32 to index
      %get3A_262 = tpu.vector_load %arg7[%get3A_261] {strides = array<i32>} : memref<6656xf32, #tpu.memory_space<vmem>>, vector<16xf32>,
      %add3A_263 = arith.addf %add3A_258, %get3A_262 : vector<16xf32>
      %add3A_264 = arith.constant 2048 : i32
      %add3A_265 = arith.addi %add3A_264, %mul3A_242 : i32
      %get3A_266 = arith.index_cast %add3A_265 : i32 to index
      %get3A_267 = tpu.vector_load %arg7[%get3A_266] {strides = array<i32>} : memref<6656xf32, #tpu.memory_space<vmem>>, vector<16xf32>,
      %add3A_268 = arith.addf %add3A_263, %get3A_267 : vector<16xf32>
      %swap3A = arith.index_cast %mul3A_242 : i32 to index
      %swap3A_269 = tpu.vector_load %arg8[%swap3A] {strides = array<i32>} : memref<512xf32, #tpu.memory_space<vmem>>, vector<16xf32>,
      tpu.vector_store %arg8[%swap3A], %add3A_268 {strides = array<i32>} : memref<512xf32, #tpu.memory_space<vmem>>, vector<16xf32>,
    }
    %scan3A_209 = arith.constant 32 : i32
    %dma_start3A_210 = arith.constant 4608 : i32
    %dma_start3A_211 = tpu.memref_slice %arg7[%dma_start3A_210] : memref<6656xf32, #tpu.memory_space<vmem>> -> memref<2048xf32, #tpu.memory_space<vmem>>
    %dma_start3A_212 = arith.constant 4608 : i32
    %dma_start3A_213 = tpu.memref_slice %arg6[%dma_start3A_212] : memref<6656xi32, #tpu.memory_space<vmem>> -> memref<2048xi32, #tpu.memory_space<vmem>>
    %dma_start3A_214 = arith.constant 0 : i32
    %dma_start3A_215 = tpu.memref_slice %arg4[%dma_start3A_214] : memref<1300000xf32, #tpu.memory_space<hbm>> -> memref<1300000xf32, #tpu.memory_space<hbm>>
    tpu.enqueue_indirect_dma source(%dma_start3A_215 : memref<1300000xf32, #tpu.memory_space<hbm>>) target(%dma_start3A_211 : memref<2048xf32, #tpu.memory_space<vmem>>) offsets(%dma_start3A_213 : memref<2048xi32, #tpu.memory_space<vmem>>) semaphore(%arg9 : memref<!tpu.dma_semaphore, #tpu.memory_space<semaphore_mem>>)
    %dma_wait3A_216 = arith.constant 2560 : i32
    %dma_wait3A_217 = tpu.memref_slice %arg7[%dma_wait3A_216] : memref<6656xf32, #tpu.memory_space<vmem>> -> memref<2048xf32, #tpu.memory_space<vmem>>
    %dma_wait3A_218 = arith.constant 2560 : i32
    %dma_wait3A_219 = tpu.memref_slice %arg6[%dma_wait3A_218] : memref<6656xi32, #tpu.memory_space<vmem>> -> memref<2048xi32, #tpu.memory_space<vmem>>
    %dma_wait3A_220 = arith.constant 0 : i32
    %dma_wait3A_221 = tpu.memref_slice %arg4[%dma_wait3A_220] : memref<1300000xf32, #tpu.memory_space<hbm>> -> memref<1300000xf32, #tpu.memory_space<hbm>>
    tpu.wait_indirect_dma semaphore(%arg10 : memref<!tpu.dma_semaphore, #tpu.memory_space<semaphore_mem>>) src(%dma_wait3A_221 : memref<1300000xf32, #tpu.memory_space<hbm>>) dst(%dma_wait3A_217 : memref<2048xf32, #tpu.memory_space<vmem>>)
    %scan3A_222 = arith.constant 0 : i32
    %scan3A_223 = arith.constant 0 : i32
    %scan3A_224 = arith.constant 32 : i32
    %scan3A_225 = arith.addi %scan3A_223, %scan3A_224 : i32
    %scan3A_226 = arith.constant 1 : i32
    scf.for %scan3A_240 = %scan3A_223 to %scan3A_225 step %scan3A_226  : i32 {
      %mul3A_241 = arith.constant 16 : i32
      %mul3A_242 = arith.muli %scan3A_240, %mul3A_241 : i32
      %get3A = arith.index_cast %mul3A_242 : i32 to index
      %get3A_243 = tpu.vector_load %arg8[%get3A] {strides = array<i32>} : memref<512xf32, #tpu.memory_space<vmem>>, vector<16xf32>,
      %add3A_244 = arith.constant 2560 : i32
      %add3A_245 = arith.addi %add3A_244, %mul3A_242 : i32
      %get3A_246 = arith.index_cast %add3A_245 : i32 to index
      %get3A_247 = tpu.vector_load %arg7[%get3A_246] {strides = array<i32>} : memref<6656xf32, #tpu.memory_space<vmem>>, vector<16xf32>,
      %add3A_248 = arith.addf %get3A_243, %get3A_247 : vector<16xf32>
      %add3A_249 = arith.constant 3072 : i32
      %add3A_250 = arith.addi %add3A_249, %mul3A_242 : i32
      %get3A_251 = arith.index_cast %add3A_250 : i32 to index
      %get3A_252 = tpu.vector_load %arg7[%get3A_251] {strides = array<i32>} : memref<6656xf32, #tpu.memory_space<vmem>>, vector<16xf32>,
      %add3A_253 = arith.addf %add3A_248, %get3A_252 : vector<16xf32>
      %add3A_254 = arith.constant 3584 : i32
      %add3A_255 = arith.addi %add3A_254, %mul3A_242 : i32
      %get3A_256 = arith.index_cast %add3A_255 : i32 to index
      %get3A_257 = tpu.vector_load %arg7[%get3A_256] {strides = array<i32>} : memref<6656xf32, #tpu.memory_space<vmem>>, vector<16xf32>,
      %add3A_258 = arith.addf %add3A_253, %get3A_257 : vector<16xf32>
      %add3A_259 = arith.constant 4096 : i32
      %add3A_260 = arith.addi %add3A_259, %mul3A_242 : i32
      %get3A_261 = arith.index_cast %add3A_260 : i32 to index
      %get3A_262 = tpu.vector_load %arg7[%get3A_261] {strides = array<i32>} : memref<6656xf32, #tpu.memory_space<vmem>>, vector<16xf32>,
      %add3A_263 = arith.addf %add3A_258, %get3A_262 : vector<16xf32>
      %swap3A = arith.index_cast %mul3A_242 : i32 to index
      %swap3A_264 = tpu.vector_load %arg8[%swap3A] {strides = array<i32>} : memref<512xf32, #tpu.memory_space<vmem>>, vector<16xf32>,
      tpu.vector_store %arg8[%swap3A], %add3A_263 {strides = array<i32>} : memref<512xf32, #tpu.memory_space<vmem>>, vector<16xf32>,
    }
    %scan3A_227 = arith.constant 32 : i32
    %dma_wait3A_228 = arith.constant 4608 : i32
    %dma_wait3A_229 = tpu.memref_slice %arg7[%dma_wait3A_228] : memref<6656xf32, #tpu.memory_space<vmem>> -> memref<2048xf32, #tpu.memory_space<vmem>>
    %dma_wait3A_230 = arith.constant 4608 : i32
    %dma_wait3A_231 = tpu.memref_slice %arg6[%dma_wait3A_230] : memref<6656xi32, #tpu.memory_space<vmem>> -> memref<2048xi32, #tpu.memory_space<vmem>>
    %dma_wait3A_232 = arith.constant 0 : i32
    %dma_wait3A_233 = tpu.memref_slice %arg4[%dma_wait3A_232] : memref<1300000xf32, #tpu.memory_space<hbm>> -> memref<1300000xf32, #tpu.memory_space<hbm>>
    tpu.wait_indirect_dma semaphore(%arg9 : memref<!tpu.dma_semaphore, #tpu.memory_space<semaphore_mem>>) src(%dma_wait3A_233 : memref<1300000xf32, #tpu.memory_space<hbm>>) dst(%dma_wait3A_229 : memref<2048xf32, #tpu.memory_space<vmem>>)
    %scan3A_234 = arith.constant 0 : i32
    %scan3A_235 = arith.constant 0 : i32
    %scan3A_236 = arith.constant 32 : i32
    %scan3A_237 = arith.addi %scan3A_235, %scan3A_236 : i32
    %scan3A_238 = arith.constant 1 : i32
    scf.for %scan3A_240 = %scan3A_235 to %scan3A_237 step %scan3A_238  : i32 {
      %mul3A_241 = arith.constant 16 : i32
      %mul3A_242 = arith.muli %scan3A_240, %mul3A_241 : i32
      %get3A = arith.index_cast %mul3A_242 : i32 to index
      %get3A_243 = tpu.vector_load %arg8[%get3A] {strides = array<i32>} : memref<512xf32, #tpu.memory_space<vmem>>, vector<16xf32>,
      %add3A_244 = arith.constant 4608 : i32
      %add3A_245 = arith.addi %add3A_244, %mul3A_242 : i32
      %get3A_246 = arith.index_cast %add3A_245 : i32 to index
      %get3A_247 = tpu.vector_load %arg7[%get3A_246] {strides = array<i32>} : memref<6656xf32, #tpu.memory_space<vmem>>, vector<16xf32>,
      %add3A_248 = arith.addf %get3A_243, %get3A_247 : vector<16xf32>
      %add3A_249 = arith.constant 5120 : i32
      %add3A_250 = arith.addi %add3A_249, %mul3A_242 : i32
      %get3A_251 = arith.index_cast %add3A_250 : i32 to index
      %get3A_252 = tpu.vector_load %arg7[%get3A_251] {strides = array<i32>} : memref<6656xf32, #tpu.memory_space<vmem>>, vector<16xf32>,
      %add3A_253 = arith.addf %add3A_248, %get3A_252 : vector<16xf32>
      %add3A_254 = arith.constant 5632 : i32
      %add3A_255 = arith.addi %add3A_254, %mul3A_242 : i32
      %get3A_256 = arith.index_cast %add3A_255 : i32 to index
      %get3A_257 = tpu.vector_load %arg7[%get3A_256] {strides = array<i32>} : memref<6656xf32, #tpu.memory_space<vmem>>, vector<16xf32>,
      %add3A_258 = arith.addf %add3A_253, %get3A_257 : vector<16xf32>
      %add3A_259 = arith.constant 6144 : i32
      %add3A_260 = arith.addi %add3A_259, %mul3A_242 : i32
      %get3A_261 = arith.index_cast %add3A_260 : i32 to index
      %get3A_262 = tpu.vector_load %arg7[%get3A_261] {strides = array<i32>} : memref<6656xf32, #tpu.memory_space<vmem>>, vector<16xf32>,
      %add3A_263 = arith.addf %add3A_258, %get3A_262 : vector<16xf32>
      %swap3A = arith.index_cast %mul3A_242 : i32 to index
      %swap3A_264 = tpu.vector_load %arg8[%swap3A] {strides = array<i32>} : memref<512xf32, #tpu.memory_space<vmem>>, vector<16xf32>,
      tpu.vector_store %arg8[%swap3A], %add3A_263 {strides = array<i32>} : memref<512xf32, #tpu.memory_space<vmem>>, vector<16xf32>,
    }
    %scan3A_239 = arith.constant 32 : i32
    "tpu.region"() ({
      %run_scoped3A = tpu.sem_alloc : memref<!tpu.dma_semaphore, #tpu.memory_space<semaphore_mem>>
      %dma_start3A_240 = tpu.memref_slice %arg5[%mul3A_2] : memref<16384xf32, #tpu.memory_space<hbm>> -> memref<512xf32, #tpu.memory_space<hbm>>
      %dma_start3A_241 = tpu.memref_slice %arg5[%mul3A_2] : memref<16384xf32, #tpu.memory_space<hbm>> -> memref<512xf32, #tpu.memory_space<hbm>>
      tpu.enqueue_dma source(%arg8 : memref<512xf32, #tpu.memory_space<vmem>>) target(%dma_start3A_241 : memref<512xf32, #tpu.memory_space<hbm>>) target_semaphore(%run_scoped3A : memref<!tpu.dma_semaphore, #tpu.memory_space<semaphore_mem>>)
      %dma_wait3A_242 = tpu.memref_slice %arg5[%mul3A_2] : memref<16384xf32, #tpu.memory_space<hbm>> -> memref<512xf32, #tpu.memory_space<hbm>>
      %dma_wait3A_243 = tpu.memref_slice %arg5[%mul3A_2] : memref<16384xf32, #tpu.memory_space<hbm>> -> memref<512xf32, #tpu.memory_space<hbm>>
      tpu.wait_dma2 semaphore(%run_scoped3A : memref<!tpu.dma_semaphore, #tpu.memory_space<semaphore_mem>>) src(%arg8 : memref<512xf32, #tpu.memory_space<vmem>>) dst(%dma_wait3A_243 : memref<512xf32, #tpu.memory_space<hbm>>)
      tpu.yield
    }) : () -> ()
    return
  }
}

module attributes {stable_mosaic.version = 14 : i64} {
  func.func @_tc_prep_body(%arg0: memref<39x16384xf32, #tpu.memory_space<vmem>>, %arg1: memref<1x13xf32, #tpu.memory_space<vmem>>, %arg2: memref<425984xi32, #tpu.memory_space<vmem>>, %arg3: memref<16384xf32, #tpu.memory_space<vmem>>) attributes {dimension_semantics = [], scalar_prefetch = 0 : i64, scratch_operands = 0 : i64, tpu.core_type = #tpu.core_type<tc>} {
    %get3A = arith.constant 0 : index
    %get3A_0 = arith.constant 0 : index
    %get3A_1 = vector.load %arg0[%get3A, %get3A_0] : memref<39x16384xf32, #tpu.memory_space<vmem>>, vector<1x16384xf32>
    %get3A_2 = vector.shape_cast %get3A_1 : vector<1x16384xf32> to vector<16384xf32>
    %convert_element_type3A = arith.fptosi %get3A_2 : vector<16384xf32> to vector<16384xi32>
    %add3A = arith.constant 0 : i32
    %add3A_3 = vector.broadcast %add3A : i32 to vector<16384xi32>
    %add3A_4 = arith.addi %convert_element_type3A, %add3A_3 : vector<16384xi32>
    %swap3A = arith.constant 0 : index
    %swap3A_5 = vector.load %arg2[%swap3A] : memref<425984xi32, #tpu.memory_space<vmem>>, vector<16384xi32>
    tpu.vector_store %arg2[%swap3A], %add3A_4 {strides = array<i32>} : memref<425984xi32, #tpu.memory_space<vmem>>, vector<16384xi32>,
    %get3A_6 = arith.constant 1 : index
    %get3A_7 = arith.constant 0 : index
    %get3A_8 = vector.load %arg0[%get3A_6, %get3A_7] : memref<39x16384xf32, #tpu.memory_space<vmem>>, vector<1x16384xf32>
    %get3A_9 = vector.shape_cast %get3A_8 : vector<1x16384xf32> to vector<16384xf32>
    %convert_element_type3A_10 = arith.fptosi %get3A_9 : vector<16384xf32> to vector<16384xi32>
    %add3A_11 = arith.constant 100000 : i32
    %add3A_12 = vector.broadcast %add3A_11 : i32 to vector<16384xi32>
    %add3A_13 = arith.addi %convert_element_type3A_10, %add3A_12 : vector<16384xi32>
    %swap3A_14 = arith.constant 16384 : index
    %swap3A_15 = vector.load %arg2[%swap3A_14] : memref<425984xi32, #tpu.memory_space<vmem>>, vector<16384xi32>
    tpu.vector_store %arg2[%swap3A_14], %add3A_13 {strides = array<i32>} : memref<425984xi32, #tpu.memory_space<vmem>>, vector<16384xi32>,
    %get3A_16 = arith.constant 2 : index
    %get3A_17 = arith.constant 0 : index
    %get3A_18 = vector.load %arg0[%get3A_16, %get3A_17] : memref<39x16384xf32, #tpu.memory_space<vmem>>, vector<1x16384xf32>
    %get3A_19 = vector.shape_cast %get3A_18 : vector<1x16384xf32> to vector<16384xf32>
    %convert_element_type3A_20 = arith.fptosi %get3A_19 : vector<16384xf32> to vector<16384xi32>
    %add3A_21 = arith.constant 200000 : i32
    %add3A_22 = vector.broadcast %add3A_21 : i32 to vector<16384xi32>
    %add3A_23 = arith.addi %convert_element_type3A_20, %add3A_22 : vector<16384xi32>
    %swap3A_24 = arith.constant 32768 : index
    %swap3A_25 = vector.load %arg2[%swap3A_24] : memref<425984xi32, #tpu.memory_space<vmem>>, vector<16384xi32>
    tpu.vector_store %arg2[%swap3A_24], %add3A_23 {strides = array<i32>} : memref<425984xi32, #tpu.memory_space<vmem>>, vector<16384xi32>,
    %get3A_26 = arith.constant 3 : index
    %get3A_27 = arith.constant 0 : index
    %get3A_28 = vector.load %arg0[%get3A_26, %get3A_27] : memref<39x16384xf32, #tpu.memory_space<vmem>>, vector<1x16384xf32>
    %get3A_29 = vector.shape_cast %get3A_28 : vector<1x16384xf32> to vector<16384xf32>
    %convert_element_type3A_30 = arith.fptosi %get3A_29 : vector<16384xf32> to vector<16384xi32>
    %add3A_31 = arith.constant 300000 : i32
    %add3A_32 = vector.broadcast %add3A_31 : i32 to vector<16384xi32>
    %add3A_33 = arith.addi %convert_element_type3A_30, %add3A_32 : vector<16384xi32>
    %swap3A_34 = arith.constant 49152 : index
    %swap3A_35 = vector.load %arg2[%swap3A_34] : memref<425984xi32, #tpu.memory_space<vmem>>, vector<16384xi32>
    tpu.vector_store %arg2[%swap3A_34], %add3A_33 {strides = array<i32>} : memref<425984xi32, #tpu.memory_space<vmem>>, vector<16384xi32>,
    %get3A_36 = arith.constant 4 : index
    %get3A_37 = arith.constant 0 : index
    %get3A_38 = vector.load %arg0[%get3A_36, %get3A_37] : memref<39x16384xf32, #tpu.memory_space<vmem>>, vector<1x16384xf32>
    %get3A_39 = vector.shape_cast %get3A_38 : vector<1x16384xf32> to vector<16384xf32>
    %convert_element_type3A_40 = arith.fptosi %get3A_39 : vector<16384xf32> to vector<16384xi32>
    %add3A_41 = arith.constant 400000 : i32
    %add3A_42 = vector.broadcast %add3A_41 : i32 to vector<16384xi32>
    %add3A_43 = arith.addi %convert_element_type3A_40, %add3A_42 : vector<16384xi32>
    %swap3A_44 = arith.constant 65536 : index
    %swap3A_45 = vector.load %arg2[%swap3A_44] : memref<425984xi32, #tpu.memory_space<vmem>>, vector<16384xi32>
    tpu.vector_store %arg2[%swap3A_44], %add3A_43 {strides = array<i32>} : memref<425984xi32, #tpu.memory_space<vmem>>, vector<16384xi32>,
    %get3A_46 = arith.constant 5 : index
    %get3A_47 = arith.constant 0 : index
    %get3A_48 = vector.load %arg0[%get3A_46, %get3A_47] : memref<39x16384xf32, #tpu.memory_space<vmem>>, vector<1x16384xf32>
    %get3A_49 = vector.shape_cast %get3A_48 : vector<1x16384xf32> to vector<16384xf32>
    %convert_element_type3A_50 = arith.fptosi %get3A_49 : vector<16384xf32> to vector<16384xi32>
    %add3A_51 = arith.constant 500000 : i32
    %add3A_52 = vector.broadcast %add3A_51 : i32 to vector<16384xi32>
    %add3A_53 = arith.addi %convert_element_type3A_50, %add3A_52 : vector<16384xi32>
    %swap3A_54 = arith.constant 81920 : index
    %swap3A_55 = vector.load %arg2[%swap3A_54] : memref<425984xi32, #tpu.memory_space<vmem>>, vector<16384xi32>
    tpu.vector_store %arg2[%swap3A_54], %add3A_53 {strides = array<i32>} : memref<425984xi32, #tpu.memory_space<vmem>>, vector<16384xi32>,
    %get3A_56 = arith.constant 6 : index
    %get3A_57 = arith.constant 0 : index
    %get3A_58 = vector.load %arg0[%get3A_56, %get3A_57] : memref<39x16384xf32, #tpu.memory_space<vmem>>, vector<1x16384xf32>
    %get3A_59 = vector.shape_cast %get3A_58 : vector<1x16384xf32> to vector<16384xf32>
    %convert_element_type3A_60 = arith.fptosi %get3A_59 : vector<16384xf32> to vector<16384xi32>
    %add3A_61 = arith.constant 600000 : i32
    %add3A_62 = vector.broadcast %add3A_61 : i32 to vector<16384xi32>
    %add3A_63 = arith.addi %convert_element_type3A_60, %add3A_62 : vector<16384xi32>
    %swap3A_64 = arith.constant 98304 : index
    %swap3A_65 = vector.load %arg2[%swap3A_64] : memref<425984xi32, #tpu.memory_space<vmem>>, vector<16384xi32>
    tpu.vector_store %arg2[%swap3A_64], %add3A_63 {strides = array<i32>} : memref<425984xi32, #tpu.memory_space<vmem>>, vector<16384xi32>,
    %get3A_66 = arith.constant 7 : index
    %get3A_67 = arith.constant 0 : index
    %get3A_68 = vector.load %arg0[%get3A_66, %get3A_67] : memref<39x16384xf32, #tpu.memory_space<vmem>>, vector<1x16384xf32>
    %get3A_69 = vector.shape_cast %get3A_68 : vector<1x16384xf32> to vector<16384xf32>
    %convert_element_type3A_70 = arith.fptosi %get3A_69 : vector<16384xf32> to vector<16384xi32>
    %add3A_71 = arith.constant 700000 : i32
    %add3A_72 = vector.broadcast %add3A_71 : i32 to vector<16384xi32>
    %add3A_73 = arith.addi %convert_element_type3A_70, %add3A_72 : vector<16384xi32>
    %swap3A_74 = arith.constant 114688 : index
    %swap3A_75 = vector.load %arg2[%swap3A_74] : memref<425984xi32, #tpu.memory_space<vmem>>, vector<16384xi32>
    tpu.vector_store %arg2[%swap3A_74], %add3A_73 {strides = array<i32>} : memref<425984xi32, #tpu.memory_space<vmem>>, vector<16384xi32>,
    %get3A_76 = arith.constant 8 : index
    %get3A_77 = arith.constant 0 : index
    %get3A_78 = vector.load %arg0[%get3A_76, %get3A_77] : memref<39x16384xf32, #tpu.memory_space<vmem>>, vector<1x16384xf32>
    %get3A_79 = vector.shape_cast %get3A_78 : vector<1x16384xf32> to vector<16384xf32>
    %convert_element_type3A_80 = arith.fptosi %get3A_79 : vector<16384xf32> to vector<16384xi32>
    %add3A_81 = arith.constant 800000 : i32
    %add3A_82 = vector.broadcast %add3A_81 : i32 to vector<16384xi32>
    %add3A_83 = arith.addi %convert_element_type3A_80, %add3A_82 : vector<16384xi32>
    %swap3A_84 = arith.constant 131072 : index
    %swap3A_85 = vector.load %arg2[%swap3A_84] : memref<425984xi32, #tpu.memory_space<vmem>>, vector<16384xi32>
    tpu.vector_store %arg2[%swap3A_84], %add3A_83 {strides = array<i32>} : memref<425984xi32, #tpu.memory_space<vmem>>, vector<16384xi32>,
    %get3A_86 = arith.constant 9 : index
    %get3A_87 = arith.constant 0 : index
    %get3A_88 = vector.load %arg0[%get3A_86, %get3A_87] : memref<39x16384xf32, #tpu.memory_space<vmem>>, vector<1x16384xf32>
    %get3A_89 = vector.shape_cast %get3A_88 : vector<1x16384xf32> to vector<16384xf32>
    %convert_element_type3A_90 = arith.fptosi %get3A_89 : vector<16384xf32> to vector<16384xi32>
    %add3A_91 = arith.constant 900000 : i32
    %add3A_92 = vector.broadcast %add3A_91 : i32 to vector<16384xi32>
    %add3A_93 = arith.addi %convert_element_type3A_90, %add3A_92 : vector<16384xi32>
    %swap3A_94 = arith.constant 147456 : index
    %swap3A_95 = vector.load %arg2[%swap3A_94] : memref<425984xi32, #tpu.memory_space<vmem>>, vector<16384xi32>
    tpu.vector_store %arg2[%swap3A_94], %add3A_93 {strides = array<i32>} : memref<425984xi32, #tpu.memory_space<vmem>>, vector<16384xi32>,
    %get3A_96 = arith.constant 10 : index
    %get3A_97 = arith.constant 0 : index
    %get3A_98 = vector.load %arg0[%get3A_96, %get3A_97] : memref<39x16384xf32, #tpu.memory_space<vmem>>, vector<1x16384xf32>
    %get3A_99 = vector.shape_cast %get3A_98 : vector<1x16384xf32> to vector<16384xf32>
    %convert_element_type3A_100 = arith.fptosi %get3A_99 : vector<16384xf32> to vector<16384xi32>
    %add3A_101 = arith.constant 1000000 : i32
    %add3A_102 = vector.broadcast %add3A_101 : i32 to vector<16384xi32>
    %add3A_103 = arith.addi %convert_element_type3A_100, %add3A_102 : vector<16384xi32>
    %swap3A_104 = arith.constant 163840 : index
    %swap3A_105 = vector.load %arg2[%swap3A_104] : memref<425984xi32, #tpu.memory_space<vmem>>, vector<16384xi32>
    tpu.vector_store %arg2[%swap3A_104], %add3A_103 {strides = array<i32>} : memref<425984xi32, #tpu.memory_space<vmem>>, vector<16384xi32>,
    %get3A_106 = arith.constant 11 : index
    %get3A_107 = arith.constant 0 : index
    %get3A_108 = vector.load %arg0[%get3A_106, %get3A_107] : memref<39x16384xf32, #tpu.memory_space<vmem>>, vector<1x16384xf32>
    %get3A_109 = vector.shape_cast %get3A_108 : vector<1x16384xf32> to vector<16384xf32>
    %convert_element_type3A_110 = arith.fptosi %get3A_109 : vector<16384xf32> to vector<16384xi32>
    %add3A_111 = arith.constant 1100000 : i32
    %add3A_112 = vector.broadcast %add3A_111 : i32 to vector<16384xi32>
    %add3A_113 = arith.addi %convert_element_type3A_110, %add3A_112 : vector<16384xi32>
    %swap3A_114 = arith.constant 180224 : index
    %swap3A_115 = vector.load %arg2[%swap3A_114] : memref<425984xi32, #tpu.memory_space<vmem>>, vector<16384xi32>
    tpu.vector_store %arg2[%swap3A_114], %add3A_113 {strides = array<i32>} : memref<425984xi32, #tpu.memory_space<vmem>>, vector<16384xi32>,
    %get3A_116 = arith.constant 12 : index
    %get3A_117 = arith.constant 0 : index
    %get3A_118 = vector.load %arg0[%get3A_116, %get3A_117] : memref<39x16384xf32, #tpu.memory_space<vmem>>, vector<1x16384xf32>
    %get3A_119 = vector.shape_cast %get3A_118 : vector<1x16384xf32> to vector<16384xf32>
    %convert_element_type3A_120 = arith.fptosi %get3A_119 : vector<16384xf32> to vector<16384xi32>
    %add3A_121 = arith.constant 1200000 : i32
    %add3A_122 = vector.broadcast %add3A_121 : i32 to vector<16384xi32>
    %add3A_123 = arith.addi %convert_element_type3A_120, %add3A_122 : vector<16384xi32>
    %swap3A_124 = arith.constant 196608 : index
    %swap3A_125 = vector.load %arg2[%swap3A_124] : memref<425984xi32, #tpu.memory_space<vmem>>, vector<16384xi32>
    tpu.vector_store %arg2[%swap3A_124], %add3A_123 {strides = array<i32>} : memref<425984xi32, #tpu.memory_space<vmem>>, vector<16384xi32>,
    %get3A_126 = arith.constant 13 : index
    %get3A_127 = arith.constant 0 : index
    %get3A_128 = vector.load %arg0[%get3A_126, %get3A_127] : memref<39x16384xf32, #tpu.memory_space<vmem>>, vector<1x16384xf32>
    %get3A_129 = vector.shape_cast %get3A_128 : vector<1x16384xf32> to vector<16384xf32>
    %convert_element_type3A_130 = arith.fptosi %get3A_129 : vector<16384xf32> to vector<16384xi32>
    %add3A_131 = arith.constant 1300000 : i32
    %add3A_132 = vector.broadcast %add3A_131 : i32 to vector<16384xi32>
    %add3A_133 = arith.addi %convert_element_type3A_130, %add3A_132 : vector<16384xi32>
    %swap3A_134 = arith.constant 212992 : index
    %swap3A_135 = vector.load %arg2[%swap3A_134] : memref<425984xi32, #tpu.memory_space<vmem>>, vector<16384xi32>
    tpu.vector_store %arg2[%swap3A_134], %add3A_133 {strides = array<i32>} : memref<425984xi32, #tpu.memory_space<vmem>>, vector<16384xi32>,
    %get3A_136 = arith.constant 14 : index
    %get3A_137 = arith.constant 0 : index
    %get3A_138 = vector.load %arg0[%get3A_136, %get3A_137] : memref<39x16384xf32, #tpu.memory_space<vmem>>, vector<1x16384xf32>
    %get3A_139 = vector.shape_cast %get3A_138 : vector<1x16384xf32> to vector<16384xf32>
    %convert_element_type3A_140 = arith.fptosi %get3A_139 : vector<16384xf32> to vector<16384xi32>
    %add3A_141 = arith.constant 1400000 : i32
    %add3A_142 = vector.broadcast %add3A_141 : i32 to vector<16384xi32>
    %add3A_143 = arith.addi %convert_element_type3A_140, %add3A_142 : vector<16384xi32>
    %swap3A_144 = arith.constant 229376 : index
    %swap3A_145 = vector.load %arg2[%swap3A_144] : memref<425984xi32, #tpu.memory_space<vmem>>, vector<16384xi32>
    tpu.vector_store %arg2[%swap3A_144], %add3A_143 {strides = array<i32>} : memref<425984xi32, #tpu.memory_space<vmem>>, vector<16384xi32>,
    %get3A_146 = arith.constant 15 : index
    %get3A_147 = arith.constant 0 : index
    %get3A_148 = vector.load %arg0[%get3A_146, %get3A_147] : memref<39x16384xf32, #tpu.memory_space<vmem>>, vector<1x16384xf32>
    %get3A_149 = vector.shape_cast %get3A_148 : vector<1x16384xf32> to vector<16384xf32>
    %convert_element_type3A_150 = arith.fptosi %get3A_149 : vector<16384xf32> to vector<16384xi32>
    %add3A_151 = arith.constant 1500000 : i32
    %add3A_152 = vector.broadcast %add3A_151 : i32 to vector<16384xi32>
    %add3A_153 = arith.addi %convert_element_type3A_150, %add3A_152 : vector<16384xi32>
    %swap3A_154 = arith.constant 245760 : index
    %swap3A_155 = vector.load %arg2[%swap3A_154] : memref<425984xi32, #tpu.memory_space<vmem>>, vector<16384xi32>
    tpu.vector_store %arg2[%swap3A_154], %add3A_153 {strides = array<i32>} : memref<425984xi32, #tpu.memory_space<vmem>>, vector<16384xi32>,
    %get3A_156 = arith.constant 16 : index
    %get3A_157 = arith.constant 0 : index
    %get3A_158 = vector.load %arg0[%get3A_156, %get3A_157] : memref<39x16384xf32, #tpu.memory_space<vmem>>, vector<1x16384xf32>
    %get3A_159 = vector.shape_cast %get3A_158 : vector<1x16384xf32> to vector<16384xf32>
    %convert_element_type3A_160 = arith.fptosi %get3A_159 : vector<16384xf32> to vector<16384xi32>
    %add3A_161 = arith.constant 1600000 : i32
    %add3A_162 = vector.broadcast %add3A_161 : i32 to vector<16384xi32>
    %add3A_163 = arith.addi %convert_element_type3A_160, %add3A_162 : vector<16384xi32>
    %swap3A_164 = arith.constant 262144 : index
    %swap3A_165 = vector.load %arg2[%swap3A_164] : memref<425984xi32, #tpu.memory_space<vmem>>, vector<16384xi32>
    tpu.vector_store %arg2[%swap3A_164], %add3A_163 {strides = array<i32>} : memref<425984xi32, #tpu.memory_space<vmem>>, vector<16384xi32>,
    %get3A_166 = arith.constant 17 : index
    %get3A_167 = arith.constant 0 : index
    %get3A_168 = vector.load %arg0[%get3A_166, %get3A_167] : memref<39x16384xf32, #tpu.memory_space<vmem>>, vector<1x16384xf32>
    %get3A_169 = vector.shape_cast %get3A_168 : vector<1x16384xf32> to vector<16384xf32>
    %convert_element_type3A_170 = arith.fptosi %get3A_169 : vector<16384xf32> to vector<16384xi32>
    %add3A_171 = arith.constant 1700000 : i32
    %add3A_172 = vector.broadcast %add3A_171 : i32 to vector<16384xi32>
    %add3A_173 = arith.addi %convert_element_type3A_170, %add3A_172 : vector<16384xi32>
    %swap3A_174 = arith.constant 278528 : index
    %swap3A_175 = vector.load %arg2[%swap3A_174] : memref<425984xi32, #tpu.memory_space<vmem>>, vector<16384xi32>
    tpu.vector_store %arg2[%swap3A_174], %add3A_173 {strides = array<i32>} : memref<425984xi32, #tpu.memory_space<vmem>>, vector<16384xi32>,
    %get3A_176 = arith.constant 18 : index
    %get3A_177 = arith.constant 0 : index
    %get3A_178 = vector.load %arg0[%get3A_176, %get3A_177] : memref<39x16384xf32, #tpu.memory_space<vmem>>, vector<1x16384xf32>
    %get3A_179 = vector.shape_cast %get3A_178 : vector<1x16384xf32> to vector<16384xf32>
    %convert_element_type3A_180 = arith.fptosi %get3A_179 : vector<16384xf32> to vector<16384xi32>
    %add3A_181 = arith.constant 1800000 : i32
    %add3A_182 = vector.broadcast %add3A_181 : i32 to vector<16384xi32>
    %add3A_183 = arith.addi %convert_element_type3A_180, %add3A_182 : vector<16384xi32>
    %swap3A_184 = arith.constant 294912 : index
    %swap3A_185 = vector.load %arg2[%swap3A_184] : memref<425984xi32, #tpu.memory_space<vmem>>, vector<16384xi32>
    tpu.vector_store %arg2[%swap3A_184], %add3A_183 {strides = array<i32>} : memref<425984xi32, #tpu.memory_space<vmem>>, vector<16384xi32>,
    %get3A_186 = arith.constant 19 : index
    %get3A_187 = arith.constant 0 : index
    %get3A_188 = vector.load %arg0[%get3A_186, %get3A_187] : memref<39x16384xf32, #tpu.memory_space<vmem>>, vector<1x16384xf32>
    %get3A_189 = vector.shape_cast %get3A_188 : vector<1x16384xf32> to vector<16384xf32>
    %convert_element_type3A_190 = arith.fptosi %get3A_189 : vector<16384xf32> to vector<16384xi32>
    %add3A_191 = arith.constant 1900000 : i32
    %add3A_192 = vector.broadcast %add3A_191 : i32 to vector<16384xi32>
    %add3A_193 = arith.addi %convert_element_type3A_190, %add3A_192 : vector<16384xi32>
    %swap3A_194 = arith.constant 311296 : index
    %swap3A_195 = vector.load %arg2[%swap3A_194] : memref<425984xi32, #tpu.memory_space<vmem>>, vector<16384xi32>
    tpu.vector_store %arg2[%swap3A_194], %add3A_193 {strides = array<i32>} : memref<425984xi32, #tpu.memory_space<vmem>>, vector<16384xi32>,
    %get3A_196 = arith.constant 20 : index
    %get3A_197 = arith.constant 0 : index
    %get3A_198 = vector.load %arg0[%get3A_196, %get3A_197] : memref<39x16384xf32, #tpu.memory_space<vmem>>, vector<1x16384xf32>
    %get3A_199 = vector.shape_cast %get3A_198 : vector<1x16384xf32> to vector<16384xf32>
    %convert_element_type3A_200 = arith.fptosi %get3A_199 : vector<16384xf32> to vector<16384xi32>
    %add3A_201 = arith.constant 2000000 : i32
    %add3A_202 = vector.broadcast %add3A_201 : i32 to vector<16384xi32>
    %add3A_203 = arith.addi %convert_element_type3A_200, %add3A_202 : vector<16384xi32>
    %swap3A_204 = arith.constant 327680 : index
    %swap3A_205 = vector.load %arg2[%swap3A_204] : memref<425984xi32, #tpu.memory_space<vmem>>, vector<16384xi32>
    tpu.vector_store %arg2[%swap3A_204], %add3A_203 {strides = array<i32>} : memref<425984xi32, #tpu.memory_space<vmem>>, vector<16384xi32>,
    %get3A_206 = arith.constant 21 : index
    %get3A_207 = arith.constant 0 : index
    %get3A_208 = vector.load %arg0[%get3A_206, %get3A_207] : memref<39x16384xf32, #tpu.memory_space<vmem>>, vector<1x16384xf32>
    %get3A_209 = vector.shape_cast %get3A_208 : vector<1x16384xf32> to vector<16384xf32>
    %convert_element_type3A_210 = arith.fptosi %get3A_209 : vector<16384xf32> to vector<16384xi32>
    %add3A_211 = arith.constant 2100000 : i32
    %add3A_212 = vector.broadcast %add3A_211 : i32 to vector<16384xi32>
    %add3A_213 = arith.addi %convert_element_type3A_210, %add3A_212 : vector<16384xi32>
    %swap3A_214 = arith.constant 344064 : index
    %swap3A_215 = vector.load %arg2[%swap3A_214] : memref<425984xi32, #tpu.memory_space<vmem>>, vector<16384xi32>
    tpu.vector_store %arg2[%swap3A_214], %add3A_213 {strides = array<i32>} : memref<425984xi32, #tpu.memory_space<vmem>>, vector<16384xi32>,
    %get3A_216 = arith.constant 22 : index
    %get3A_217 = arith.constant 0 : index
    %get3A_218 = vector.load %arg0[%get3A_216, %get3A_217] : memref<39x16384xf32, #tpu.memory_space<vmem>>, vector<1x16384xf32>
    %get3A_219 = vector.shape_cast %get3A_218 : vector<1x16384xf32> to vector<16384xf32>
    %convert_element_type3A_220 = arith.fptosi %get3A_219 : vector<16384xf32> to vector<16384xi32>
    %add3A_221 = arith.constant 2200000 : i32
    %add3A_222 = vector.broadcast %add3A_221 : i32 to vector<16384xi32>
    %add3A_223 = arith.addi %convert_element_type3A_220, %add3A_222 : vector<16384xi32>
    %swap3A_224 = arith.constant 360448 : index
    %swap3A_225 = vector.load %arg2[%swap3A_224] : memref<425984xi32, #tpu.memory_space<vmem>>, vector<16384xi32>
    tpu.vector_store %arg2[%swap3A_224], %add3A_223 {strides = array<i32>} : memref<425984xi32, #tpu.memory_space<vmem>>, vector<16384xi32>,
    %get3A_226 = arith.constant 23 : index
    %get3A_227 = arith.constant 0 : index
    %get3A_228 = vector.load %arg0[%get3A_226, %get3A_227] : memref<39x16384xf32, #tpu.memory_space<vmem>>, vector<1x16384xf32>
    %get3A_229 = vector.shape_cast %get3A_228 : vector<1x16384xf32> to vector<16384xf32>
    %convert_element_type3A_230 = arith.fptosi %get3A_229 : vector<16384xf32> to vector<16384xi32>
    %add3A_231 = arith.constant 2300000 : i32
    %add3A_232 = vector.broadcast %add3A_231 : i32 to vector<16384xi32>
    %add3A_233 = arith.addi %convert_element_type3A_230, %add3A_232 : vector<16384xi32>
    %swap3A_234 = arith.constant 376832 : index
    %swap3A_235 = vector.load %arg2[%swap3A_234] : memref<425984xi32, #tpu.memory_space<vmem>>, vector<16384xi32>
    tpu.vector_store %arg2[%swap3A_234], %add3A_233 {strides = array<i32>} : memref<425984xi32, #tpu.memory_space<vmem>>, vector<16384xi32>,
    %get3A_236 = arith.constant 24 : index
    %get3A_237 = arith.constant 0 : index
    %get3A_238 = vector.load %arg0[%get3A_236, %get3A_237] : memref<39x16384xf32, #tpu.memory_space<vmem>>, vector<1x16384xf32>
    %get3A_239 = vector.shape_cast %get3A_238 : vector<1x16384xf32> to vector<16384xf32>
    %convert_element_type3A_240 = arith.fptosi %get3A_239 : vector<16384xf32> to vector<16384xi32>
    %add3A_241 = arith.constant 2400000 : i32
    %add3A_242 = vector.broadcast %add3A_241 : i32 to vector<16384xi32>
    %add3A_243 = arith.addi %convert_element_type3A_240, %add3A_242 : vector<16384xi32>
    %swap3A_244 = arith.constant 393216 : index
    %swap3A_245 = vector.load %arg2[%swap3A_244] : memref<425984xi32, #tpu.memory_space<vmem>>, vector<16384xi32>
    tpu.vector_store %arg2[%swap3A_244], %add3A_243 {strides = array<i32>} : memref<425984xi32, #tpu.memory_space<vmem>>, vector<16384xi32>,
    %get3A_246 = arith.constant 25 : index
    %get3A_247 = arith.constant 0 : index
    %get3A_248 = vector.load %arg0[%get3A_246, %get3A_247] : memref<39x16384xf32, #tpu.memory_space<vmem>>, vector<1x16384xf32>
    %get3A_249 = vector.shape_cast %get3A_248 : vector<1x16384xf32> to vector<16384xf32>
    %convert_element_type3A_250 = arith.fptosi %get3A_249 : vector<16384xf32> to vector<16384xi32>
    %add3A_251 = arith.constant 2500000 : i32
    %add3A_252 = vector.broadcast %add3A_251 : i32 to vector<16384xi32>
    %add3A_253 = arith.addi %convert_element_type3A_250, %add3A_252 : vector<16384xi32>
    %swap3A_254 = arith.constant 409600 : index
    %swap3A_255 = vector.load %arg2[%swap3A_254] : memref<425984xi32, #tpu.memory_space<vmem>>, vector<16384xi32>
    tpu.vector_store %arg2[%swap3A_254], %add3A_253 {strides = array<i32>} : memref<425984xi32, #tpu.memory_space<vmem>>, vector<16384xi32>,
    %get3A_256 = arith.constant 26 : index
    %get3A_257 = arith.constant 0 : index
    %get3A_258 = vector.load %arg0[%get3A_256, %get3A_257] : memref<39x16384xf32, #tpu.memory_space<vmem>>, vector<1x16384xf32>
    %get3A_259 = vector.shape_cast %get3A_258 : vector<1x16384xf32> to vector<16384xf32>
    %get3A_260 = arith.constant 0 : index
    %get3A_261 = arith.constant 0 : index
    %get3A_262 = vector.load %arg1[%get3A_260, %get3A_261] : memref<1x13xf32, #tpu.memory_space<vmem>>, vector<1x1xf32>
    %get3A_263 = vector.extract %get3A_262[0, 0] : f32 from vector<1x1xf32>
    %mul3A = vector.broadcast %get3A_263 : f32 to vector<16384xf32>
    %mul3A_264 = arith.mulf %get3A_259, %mul3A : vector<16384xf32>
    %get3A_265 = arith.constant 27 : index
    %get3A_266 = arith.constant 0 : index
    %get3A_267 = vector.load %arg0[%get3A_265, %get3A_266] : memref<39x16384xf32, #tpu.memory_space<vmem>>, vector<1x16384xf32>
    %get3A_268 = vector.shape_cast %get3A_267 : vector<1x16384xf32> to vector<16384xf32>
    %get3A_269 = arith.constant 0 : index
    %get3A_270 = arith.constant 1 : index
    %get3A_271 = vector.load %arg1[%get3A_269, %get3A_270] : memref<1x13xf32, #tpu.memory_space<vmem>>, vector<1x1xf32>
    %get3A_272 = vector.extract %get3A_271[0, 0] : f32 from vector<1x1xf32>
    %mul3A_273 = vector.broadcast %get3A_272 : f32 to vector<16384xf32>
    %mul3A_274 = arith.mulf %get3A_268, %mul3A_273 : vector<16384xf32>
    %add3A_275 = arith.addf %mul3A_264, %mul3A_274 : vector<16384xf32>
    %get3A_276 = arith.constant 28 : index
    %get3A_277 = arith.constant 0 : index
    %get3A_278 = vector.load %arg0[%get3A_276, %get3A_277] : memref<39x16384xf32, #tpu.memory_space<vmem>>, vector<1x16384xf32>
    %get3A_279 = vector.shape_cast %get3A_278 : vector<1x16384xf32> to vector<16384xf32>
    %get3A_280 = arith.constant 0 : index
    %get3A_281 = arith.constant 2 : index
    %get3A_282 = vector.load %arg1[%get3A_280, %get3A_281] : memref<1x13xf32, #tpu.memory_space<vmem>>, vector<1x1xf32>
    %get3A_283 = vector.extract %get3A_282[0, 0] : f32 from vector<1x1xf32>
    %mul3A_284 = vector.broadcast %get3A_283 : f32 to vector<16384xf32>
    %mul3A_285 = arith.mulf %get3A_279, %mul3A_284 : vector<16384xf32>
    %add3A_286 = arith.addf %add3A_275, %mul3A_285 : vector<16384xf32>
    %get3A_287 = arith.constant 29 : index
    %get3A_288 = arith.constant 0 : index
    %get3A_289 = vector.load %arg0[%get3A_287, %get3A_288] : memref<39x16384xf32, #tpu.memory_space<vmem>>, vector<1x16384xf32>
    %get3A_290 = vector.shape_cast %get3A_289 : vector<1x16384xf32> to vector<16384xf32>
    %get3A_291 = arith.constant 0 : index
    %get3A_292 = arith.constant 3 : index
    %get3A_293 = vector.load %arg1[%get3A_291, %get3A_292] : memref<1x13xf32, #tpu.memory_space<vmem>>, vector<1x1xf32>
    %get3A_294 = vector.extract %get3A_293[0, 0] : f32 from vector<1x1xf32>
    %mul3A_295 = vector.broadcast %get3A_294 : f32 to vector<16384xf32>
    %mul3A_296 = arith.mulf %get3A_290, %mul3A_295 : vector<16384xf32>
    %add3A_297 = arith.addf %add3A_286, %mul3A_296 : vector<16384xf32>
    %get3A_298 = arith.constant 30 : index
    %get3A_299 = arith.constant 0 : index
    %get3A_300 = vector.load %arg0[%get3A_298, %get3A_299] : memref<39x16384xf32, #tpu.memory_space<vmem>>, vector<1x16384xf32>
    %get3A_301 = vector.shape_cast %get3A_300 : vector<1x16384xf32> to vector<16384xf32>
    %get3A_302 = arith.constant 0 : index
    %get3A_303 = arith.constant 4 : index
    %get3A_304 = vector.load %arg1[%get3A_302, %get3A_303] : memref<1x13xf32, #tpu.memory_space<vmem>>, vector<1x1xf32>
    %get3A_305 = vector.extract %get3A_304[0, 0] : f32 from vector<1x1xf32>
    %mul3A_306 = vector.broadcast %get3A_305 : f32 to vector<16384xf32>
    %mul3A_307 = arith.mulf %get3A_301, %mul3A_306 : vector<16384xf32>
    %add3A_308 = arith.addf %add3A_297, %mul3A_307 : vector<16384xf32>
    %get3A_309 = arith.constant 31 : index
    %get3A_310 = arith.constant 0 : index
    %get3A_311 = vector.load %arg0[%get3A_309, %get3A_310] : memref<39x16384xf32, #tpu.memory_space<vmem>>, vector<1x16384xf32>
    %get3A_312 = vector.shape_cast %get3A_311 : vector<1x16384xf32> to vector<16384xf32>
    %get3A_313 = arith.constant 0 : index
    %get3A_314 = arith.constant 5 : index
    %get3A_315 = vector.load %arg1[%get3A_313, %get3A_314] : memref<1x13xf32, #tpu.memory_space<vmem>>, vector<1x1xf32>
    %get3A_316 = vector.extract %get3A_315[0, 0] : f32 from vector<1x1xf32>
    %mul3A_317 = vector.broadcast %get3A_316 : f32 to vector<16384xf32>
    %mul3A_318 = arith.mulf %get3A_312, %mul3A_317 : vector<16384xf32>
    %add3A_319 = arith.addf %add3A_308, %mul3A_318 : vector<16384xf32>
    %get3A_320 = arith.constant 32 : index
    %get3A_321 = arith.constant 0 : index
    %get3A_322 = vector.load %arg0[%get3A_320, %get3A_321] : memref<39x16384xf32, #tpu.memory_space<vmem>>, vector<1x16384xf32>
    %get3A_323 = vector.shape_cast %get3A_322 : vector<1x16384xf32> to vector<16384xf32>
    %get3A_324 = arith.constant 0 : index
    %get3A_325 = arith.constant 6 : index
    %get3A_326 = vector.load %arg1[%get3A_324, %get3A_325] : memref<1x13xf32, #tpu.memory_space<vmem>>, vector<1x1xf32>
    %get3A_327 = vector.extract %get3A_326[0, 0] : f32 from vector<1x1xf32>
    %mul3A_328 = vector.broadcast %get3A_327 : f32 to vector<16384xf32>
    %mul3A_329 = arith.mulf %get3A_323, %mul3A_328 : vector<16384xf32>
    %add3A_330 = arith.addf %add3A_319, %mul3A_329 : vector<16384xf32>
    %get3A_331 = arith.constant 33 : index
    %get3A_332 = arith.constant 0 : index
    %get3A_333 = vector.load %arg0[%get3A_331, %get3A_332] : memref<39x16384xf32, #tpu.memory_space<vmem>>, vector<1x16384xf32>
    %get3A_334 = vector.shape_cast %get3A_333 : vector<1x16384xf32> to vector<16384xf32>
    %get3A_335 = arith.constant 0 : index
    %get3A_336 = arith.constant 7 : index
    %get3A_337 = vector.load %arg1[%get3A_335, %get3A_336] : memref<1x13xf32, #tpu.memory_space<vmem>>, vector<1x1xf32>
    %get3A_338 = vector.extract %get3A_337[0, 0] : f32 from vector<1x1xf32>
    %mul3A_339 = vector.broadcast %get3A_338 : f32 to vector<16384xf32>
    %mul3A_340 = arith.mulf %get3A_334, %mul3A_339 : vector<16384xf32>
    %add3A_341 = arith.addf %add3A_330, %mul3A_340 : vector<16384xf32>
    %get3A_342 = arith.constant 34 : index
    %get3A_343 = arith.constant 0 : index
    %get3A_344 = vector.load %arg0[%get3A_342, %get3A_343] : memref<39x16384xf32, #tpu.memory_space<vmem>>, vector<1x16384xf32>
    %get3A_345 = vector.shape_cast %get3A_344 : vector<1x16384xf32> to vector<16384xf32>
    %get3A_346 = arith.constant 0 : index
    %get3A_347 = arith.constant 8 : index
    %get3A_348 = vector.load %arg1[%get3A_346, %get3A_347] : memref<1x13xf32, #tpu.memory_space<vmem>>, vector<1x1xf32>
    %get3A_349 = vector.extract %get3A_348[0, 0] : f32 from vector<1x1xf32>
    %mul3A_350 = vector.broadcast %get3A_349 : f32 to vector<16384xf32>
    %mul3A_351 = arith.mulf %get3A_345, %mul3A_350 : vector<16384xf32>
    %add3A_352 = arith.addf %add3A_341, %mul3A_351 : vector<16384xf32>
    %get3A_353 = arith.constant 35 : index
    %get3A_354 = arith.constant 0 : index
    %get3A_355 = vector.load %arg0[%get3A_353, %get3A_354] : memref<39x16384xf32, #tpu.memory_space<vmem>>, vector<1x16384xf32>
    %get3A_356 = vector.shape_cast %get3A_355 : vector<1x16384xf32> to vector<16384xf32>
    %get3A_357 = arith.constant 0 : index
    %get3A_358 = arith.constant 9 : index
    %get3A_359 = vector.load %arg1[%get3A_357, %get3A_358] : memref<1x13xf32, #tpu.memory_space<vmem>>, vector<1x1xf32>
    %get3A_360 = vector.extract %get3A_359[0, 0] : f32 from vector<1x1xf32>
    %mul3A_361 = vector.broadcast %get3A_360 : f32 to vector<16384xf32>
    %mul3A_362 = arith.mulf %get3A_356, %mul3A_361 : vector<16384xf32>
    %add3A_363 = arith.addf %add3A_352, %mul3A_362 : vector<16384xf32>
    %get3A_364 = arith.constant 36 : index
    %get3A_365 = arith.constant 0 : index
    %get3A_366 = vector.load %arg0[%get3A_364, %get3A_365] : memref<39x16384xf32, #tpu.memory_space<vmem>>, vector<1x16384xf32>
    %get3A_367 = vector.shape_cast %get3A_366 : vector<1x16384xf32> to vector<16384xf32>
    %get3A_368 = arith.constant 0 : index
    %get3A_369 = arith.constant 10 : index
    %get3A_370 = vector.load %arg1[%get3A_368, %get3A_369] : memref<1x13xf32, #tpu.memory_space<vmem>>, vector<1x1xf32>
    %get3A_371 = vector.extract %get3A_370[0, 0] : f32 from vector<1x1xf32>
    %mul3A_372 = vector.broadcast %get3A_371 : f32 to vector<16384xf32>
    %mul3A_373 = arith.mulf %get3A_367, %mul3A_372 : vector<16384xf32>
    %add3A_374 = arith.addf %add3A_363, %mul3A_373 : vector<16384xf32>
    %get3A_375 = arith.constant 37 : index
    %get3A_376 = arith.constant 0 : index
    %get3A_377 = vector.load %arg0[%get3A_375, %get3A_376] : memref<39x16384xf32, #tpu.memory_space<vmem>>, vector<1x16384xf32>
    %get3A_378 = vector.shape_cast %get3A_377 : vector<1x16384xf32> to vector<16384xf32>
    %get3A_379 = arith.constant 0 : index
    %get3A_380 = arith.constant 11 : index
    %get3A_381 = vector.load %arg1[%get3A_379, %get3A_380] : memref<1x13xf32, #tpu.memory_space<vmem>>, vector<1x1xf32>
    %get3A_382 = vector.extract %get3A_381[0, 0] : f32 from vector<1x1xf32>
    %mul3A_383 = vector.broadcast %get3A_382 : f32 to vector<16384xf32>
    %mul3A_384 = arith.mulf %get3A_378, %mul3A_383 : vector<16384xf32>
    %add3A_385 = arith.addf %add3A_374, %mul3A_384 : vector<16384xf32>
    %get3A_386 = arith.constant 38 : index
    %get3A_387 = arith.constant 0 : index
    %get3A_388 = vector.load %arg0[%get3A_386, %get3A_387] : memref<39x16384xf32, #tpu.memory_space<vmem>>, vector<1x16384xf32>
    %get3A_389 = vector.shape_cast %get3A_388 : vector<1x16384xf32> to vector<16384xf32>
    %get3A_390 = arith.constant 0 : index
    %get3A_391 = arith.constant 12 : index
    %get3A_392 = vector.load %arg1[%get3A_390, %get3A_391] : memref<1x13xf32, #tpu.memory_space<vmem>>, vector<1x1xf32>
    %get3A_393 = vector.extract %get3A_392[0, 0] : f32 from vector<1x1xf32>
    %mul3A_394 = vector.broadcast %get3A_393 : f32 to vector<16384xf32>
    %mul3A_395 = arith.mulf %get3A_389, %mul3A_394 : vector<16384xf32>
    %add3A_396 = arith.addf %add3A_385, %mul3A_395 : vector<16384xf32>
    %swap3A_397 = arith.constant 0 : index
    %swap3A_398 = vector.load %arg3[%swap3A_397] : memref<16384xf32, #tpu.memory_space<vmem>>, vector<16384xf32>
    tpu.vector_store %arg3[%swap3A_397], %add3A_396 {strides = array<i32>} : memref<16384xf32, #tpu.memory_space<vmem>>, vector<16384xf32>,
    return
  }
}

</mosaic_0001>

<sc_bundles>
// kernel: kernel.5.cloned.1.call-start
scs
__scs_entry_jumppad:
0x0: {  	(pc) =	sbr.rel $0x88, $3  }
0x1: {  	(tag) =	ssettag $0x0;
	lr =	simm.s32 $0x1  }
0x2: {  	[smem:$0x3F9E] =	sst lr;
	_ =	strace $0xD0000000  }
0x3: {  	_ = 	snop  }
0x4: {  	_ = 	snop  }
0x5: {  	_ = 	snop  }
0x6: {  	_ = 	snop  }
0x7: {  	_ = 	snop  }
__scs_overlays_trampoline_lowered:
0x8: {  	[smem:$0x3FAD] =	sst s0  }
0x9: {  	[smem:$0x3FAE] =	sst s1  }
0xa: {  	[smem:$0x3FAF] =	sst s2  }
0xb: {  	[smem:$0x3FB0] =	sst s3  }
0xc: {  	[smem:$0x3FB1] =	sst s4  }
0xd: {  	[smem:$0x3FB2] =	sst s5  }
0xe: {  	[smem:$0x3FB3] =	sst s6  }
0xf: {  	[smem:$0x3FB4] =	sst s7  }
0x10: {  	[smem:$0x3FB5] =	sst s8  }
0x11: {  	[smem:$0x3FB6] =	sst s9;
	s0 =	simm.s32 @!p0 $0x0  }
0x12: {  	s1 =	sld [smem:$0x3F9C];
	s0 =	simm.s32 @p0 $0x1  }
0x13: {  	[smem:$0x3FB7] =	sst s0;
	s0 =	simm.s32 @!p1 $0x0  }
0x14: {  	s2 =	sld [smem:$0x3F9B];
	s0 =	simm.s32 @p1 $0x1  }
0x15: {  	[smem:$0x3FB8] =	sst s0;
	s0 =	simm.s32 @!p2 $0x0  }
0x16: {  	s3 =	sld [smem:$0x3FDB];
	s0 =	simm.s32 @p2 $0x1  }
0x17: {  	s4 =	simm.s32 $0x1BF5;
	[smem:$0x3FBA] =	sst s0  }
0x18: {  	s0 =	sld [smem:$0x3F9D];
	_ =	swait.ge [sflag:s4], $0x0  }
0x19: {  	s7 =	sld [smem:$0x3F9E]  }
0x1a: {  	s8 =	sadd.s32 $0xFFFFE003, lr  }
0x1b: {  	s9 =	sadd.s32 $0xFFFFFEF7, lr;
	s5 =	simm.s32 $0xFFFFFFFF;
	p2 =	slt.u32 s8, $0xFFFFF086  }
0x1c: {  	p1 =	slt.u32 s9, $0xF7A;
	s5 =	simm.s32 @!p2 $0x0  }
0x1d: {  	s5 =	simm.s32 @p1 $0x1;
	p0 =	seq.s32 s7, s2  }
0x1e: {  	s7 =	smul.u32 @!p0 $0xF7A, s2;
	p2 =	seq.s32 @!p0 s5, $0x0  }
0x1f: {  	s9 =	smul.u32 $0xF7A, s1;
	s8 =	simm.s32 @!p0 $0x1BF5;
	p2 =	por !p2, p0  }
0x20: {  	[sflag:s8] =	ssyncset.s32 @!p0 $0xFFFFF086;
	s6 =	sadd.s32 @!p0 s3, s7;
	s7 =	simm.s32 @!p0 $0x108  }
0x21: {  	s3 =	sadd.s32 s3, s9;
	s6 =	sadd.s32 @!p0 $0x88, s6;
	s7 =	simm.s32 @p2 $0x1082  }
0x22: {  	[simem:s7], [sflag:s8] =	dma.local @!p0 [hbm:s6], $0xF7A  }
0x23: {  	s9 =	sor.u32 $0xD0000000, s2;
	s6 =	simm.s32 $0x108;
	_ =	swait.ge @!p0 [sflag:s8], $0x0  }
0x24: {  	s3 =	sadd.s32 $0x88, s3;
	s6 =	simm.s32 @!p1 $0x1082;
	[sflag:s4] =	ssyncset.s32 $0xFFFFF086  }
0x25: {  	[simem:s6], [sflag:s4] =	dma.local [hbm:s3], $0xF7A  }
0x26: {  	[smem:$0x3F9E] =	sst s1;
	(tag) =	ssettag s2;
	_ =	strace s9  }
0x27: {  	s1 =	sld [smem:$0x3FAE]  }
0x28: {  	s2 =	sld [smem:$0x3FAF]  }
0x29: {  	s4 =	sld [smem:$0x3FB1]  }
0x2a: {  	p0 =	seq.s32 s5, $0x0;
	s5 =	sld [smem:$0x3FB2]  }
0x2b: {  	s6 =	sld [smem:$0x3FB3]  }
0x2c: {  	s7 =	sld [smem:$0x3FB4]  }
0x2d: {  	s3 =	simm.s32 $0x108;
	s8 =	sld [smem:$0x3FB5]  }
0x2e: {  	s3 =	simm.s32 @!p0 $0x1082;
	s9 =	sld [smem:$0x3FB6]  }
0x2f: {  	lr =	sadd.s32 s0, s3;
	s0 =	sld [smem:$0x3FAD]  }
0x30: {  	s3 =	sld [smem:$0x3FB0]  }
0x31: {  	[smem:$0x3FB9] =	sst s10  }
0x32: {  	s10 =	sld [smem:$0x3FB7];
	_ =	sdelay $0x3  }
0x33: {  	p0 =	seq.s32 s10, $0x1;
	s10 =	sld [smem:$0x3FB9];
	_ =	sdelay $0x3  }
0x34: {  	[smem:$0x3FB9] =	sst s10  }
0x35: {  	s10 =	sld [smem:$0x3FB8];
	_ =	sdelay $0x3  }
0x36: {  	p1 =	seq.s32 s10, $0x1;
	s10 =	sld [smem:$0x3FB9];
	_ =	sdelay $0x3  }
0x37: {  	[smem:$0x3FB9] =	sst s10  }
0x38: {  	s10 =	sld [smem:$0x3FBA]  }
0x39: {  	_ = 	snop;
	(pc) =	sbr.ind lr, $3  }
0x3a: {  	_ = 	snop  }
0x3b: {  	_ = 	snop  }
0x3c: {  	p2 =	seq.s32 s10, $0x1;
	s10 =	sld [smem:$0x3FB9]  }
0x3d: {  	_ =	shalt  }
0x3e: {  	_ =	shalt  }
0x3f: {  	_ =	shalt  }
0x40: {  	_ =	shalt  }
0x41: {  	_ =	shalt  }
0x42: {  	_ =	shalt  }
0x43: {  	_ =	shalt  }
0x44: {  	_ =	shalt  }
0x45: {  	_ =	shalt  }
0x46: {  	_ =	shalt  }
0x47: {  	_ =	shalt  }
0x48: {  	_ =	shalt  }
0x49: {  	_ =	shalt  }
0x4a: {  	_ =	shalt  }
0x4b: {  	_ =	shalt  }
0x4c: {  	_ =	shalt  }
0x4d: {  	_ =	shalt  }
0x4e: {  	_ =	shalt  }
0x4f: {  	_ =	shalt  }
0x50: {  	_ =	shalt  }
0x51: {  	_ =	shalt  }
0x52: {  	_ =	shalt  }
0x53: {  	_ =	shalt  }
0x54: {  	_ =	shalt  }
0x55: {  	_ =	shalt  }
0x56: {  	_ =	shalt  }
0x57: {  	_ =	shalt  }
0x58: {  	_ =	shalt  }
0x59: {  	_ =	shalt  }
0x5a: {  	_ =	shalt  }
0x5b: {  	_ =	shalt  }
0x5c: {  	_ =	shalt  }
0x5d: {  	_ =	shalt  }
0x5e: {  	_ =	shalt  }
0x5f: {  	_ =	shalt  }
0x60: {  	_ =	shalt  }
0x61: {  	_ =	shalt  }
0x62: {  	_ =	shalt  }
0x63: {  	_ =	shalt  }
0x64: {  	_ =	shalt  }
0x65: {  	_ =	shalt  }
0x66: {  	_ =	shalt  }
0x67: {  	_ =	shalt  }
0x68: {  	_ =	shalt  }
0x69: {  	_ =	shalt  }
0x6a: {  	_ =	shalt  }
0x6b: {  	_ =	shalt  }
0x6c: {  	_ =	shalt  }
0x6d: {  	_ =	shalt  }
0x6e: {  	_ =	shalt  }
0x6f: {  	_ =	shalt  }
0x70: {  	_ =	shalt  }
0x71: {  	_ =	shalt  }
0x72: {  	_ =	shalt  }
0x73: {  	_ =	shalt  }
0x74: {  	_ =	shalt  }
0x75: {  	_ =	shalt  }
0x76: {  	_ =	shalt  }
0x77: {  	_ =	shalt  }
0x78: {  	_ =	shalt  }
0x79: {  	_ =	shalt  }
0x7a: {  	_ =	shalt  }
0x7b: {  	_ =	shalt  }
0x7c: {  	_ =	shalt  }
0x7d: {  	_ =	shalt  }
0x7e: {  	_ =	shalt  }
0x7f: {  	_ =	shalt  }
0x80: {  	_ =	shalt  }
0x81: {  	_ =	shalt  }
0x82: {  	_ =	shalt  }
0x83: {  	_ =	shalt  }
0x84: {  	_ =	shalt  }
0x85: {  	_ =	shalt  }
0x86: {  	_ =	shalt  }
0x87: {  	_ =	shalt  }
.Lfunc_end0:
.L_simem_size_0:
called_computation_lowered:
.L_overlay_start_0:
0x88: {  	s2 =	sld [smem:$0x3FD9]  }
0x89: {  	s3 =	sld [smem:$0x3FFE];
	_ =	sdelay $0x1  }
0x8a: {  	s1 =	srdreg.scid  }
0x8b: {  	s0 =	sand.u32 $0x1, s1  }
0x8c: {  	s17 =	sshll.u32 s0, $0xA;
	s2 =	sadd.s32 s3, s2  }
0x8d: {  	s2 =	sadd.s32 s2, s17  }
0x8e: {  	[smem:$0x3FC5] =	sst s2  }
0x8f: {  	_ = 	snop  }
0x90: {  	s2 =	sld [smem:$0x3FD0];
	(tm) =	ssettm $0x1  }
0x91: {  	s18 =	sld [smem:$0x3FFB];
	_ =	sdelay $0x3  }
0x92: {  	_ =	strace s18  }
0x93: {  	s3 =	sld [smem:$0x3FFC];
	_ =	sdelay $0x3  }
0x94: {  	_ =	strace s3  }
0x95: {  	s3 =	sld [smem:$0x3FFD];
	_ =	sdelay $0x3  }
0x96: {  	_ =	strace s3  }
0x97: {  	_ =	strace $0x8FFFFFFF  }
0x98: {  	s19 =	sld [smem:$0x3FDB];
	_ =	sdelay $0x1  }
0x99: {  	s4 =	simm.s32 $_scs_section_size  }
0x9a: {  	s5 =	simm.s32 $_size__tile_overlayer_lowered;
	s6 =	simm.s32 $_tile_overlayer_lowered  }
0x9b: {  	s22 =	simm.s32 $0x1BFF;
	s21 =	sshll.u32 s6, $0x1;
	s3 =	sadd.s32 s4, s19  }
0x9c: {  	s7 =	simm.s32 $0x0;
	s20 =	sshll.u32 s5, $0x1;
	s5 =	sadd.s32 s21, s3  }
0x9d: {  	[timem:s7], [sflag:s22] =	dma.local [hbm:s5], s20  }
0x9e: {  	_ =	swait.ge [sflag:s22], s20  }
0x9f: {  	s4 =	ssub.s32 $0x0, s20;
	[sflag:s22] =	ssyncset.done $0x0  }
0xa0: {  	[sflag:s22] =	ssyncadd.s32 s4;
	_ =	sdelay $0x1  }
0xa1: {  	s23 =	simm.s32 $0x1B8B  }
0xa2: {  	_ =	swait.ge [sflag:s23], $0x1  }
0xa3: {  	[sflag:s23] =	ssyncset.done $0x0  }
0xa4: {  	s25 =	simm.s32 $0x1B8E;
	s24 =	sld [smem:$0x3FFE];
	[sflag:s23] =	ssyncadd.s32 $0xFFFFFFFF  }
0xa5: {  	s26 =	simm.s32 $execute0_lowered;
	[smem:$0x3FD2] =	sst s25  }
0xa6: {  	s5 =	sshll.u32 s26, $0x1;
	_ =	strace $0x80000046;
	[dreg:$0x1] =	wrdreg $0xFFFFFFFF  }
0xa7: {  	s28 =	simm.s32 $_size_execute0_lowered;
	s3 =	sadd.s32 s3, s5;
	[dreg:$0x0] =	wrdreg $0x0  }
0xa8: {  	s5 =	sshll.u32 s28, $0x1;
	[dreg:$0x2] =	wrdreg s3  }
0xa9: {  	[dreg:$0x3] =	wrdreg s5  }
0xaa: {  	[dreg:$0x4] =	wrdreg $0xC0  }
0xab: {  	_ =	task [dreg:s7], $0x5FFFF  }
0xac: {  	[dreg:$0x1] =	wrdreg $0xFFFFFFFF  }
0xad: {  	[dreg:$0x0] =	wrdreg $0x60  }
0xae: {  	[dreg:$0x2] =	wrdreg s24  }
0xaf: {  	[dreg:$0x3] =	wrdreg s2  }
0xb0: {  	[dreg:$0x4] =	wrdreg $0x9  }
0xb1: {  	_ =	task.clear_ibuf [dreg:s7], $0x5FFFF;
	_ =	strace $0x90000046  }
0xb2: {  	s29 =	simm.s32 $0x9;
	_ =	strace $0x80000048  }
0xb3: {  	_ =	swait.ge [sflag:s29], $0x1  }
0xb4: {  	[sflag:s29] =	ssyncadd.s32 $0xFFFFFFFF  }
0xb5: {  	_ =	strace $0x90000048  }
0xb6: {  	_ =	sfence  }
0xb7: {  	s30 =	sld [smem:$0x0];
	_ =	sdelay $0x2  }
0xb8: {  	s31 =	sshll.u32 s1, $0xD;
	s1 =	sshrl.u32 s1, $0x2  }
0xb9: {  	s3 =	sand.u32 $0x4000, s31;
	s1 =	sadd.s32 s1, s30  }
0xba: {  	s0 =	sor.u32 s3, s0;
	s1 =	sshll.u32 s1, $0x11  }
0xbb: {  	s0 =	sor.u32 s1, s0  }
0xbc: {  	s0 =	sadd.s32 $0x8F2B, s0  }
0xbd: {  	[sflag:s0] =	ssyncadd.remote.s32 $0x1  }
0xbe: {  	_ =	sfence.sel $0xFFFF  }
0xbf: {  	[dreg:$0x0] =	wrdreg $0xFFFFFFFF;
	(pc) =	sbr.abs _section_cstart, $3  }
0xc0: {  	[dreg:$0x1] =	wrdreg $0xFFFFFFFF  }
0xc1: {  	_ =	task.clear_ibuf [dreg:s7], $0x2FFFF;
	_ =	strace $0x9FFFFFFF  }
0xc2: {  	(tm) =	ssettm $0x7FFFFFFF  }
0xc3: {  	_ =	shalt  }
tec
execute0_lowered:
.L_overlay_start_1:
0x0: {  	(tag) =	ssettag $0x1  }
0x1: {  	s0 =	rddreg [dreg:$0x0]  }
0x2: {  	s1 =	rddreg [dreg:$0x1];
	s3 =	srdreg.scid;
	s2 =	simm.s32 $0x0  }
0x3: {  	s4 =	stileid.u32;
	s23 =	simm.s32 $0x800;
	s24 =	simm.s32 $0xA00  }
0x4: {  	s29 =	simm.s32 $0x1200;
	s20 =	simm.s32 $0x2;
	s25 =	simm.s32 $0x3400  }
0x5: {  	s26 =	simm.s32 $0x3;
	s28 =	simm.s32 $0x0;
	s3 =	sand.u32 $0x1, s3  }
0x6: {  	[smem:$0x7FF] =	sst s2;
	s4 =	sshll.u32 s4, $0x7;
	s5 =	sshll.u32 s3, $0x6  }
0x7: {  	_ =	strace $0x80000047;
	s30 =	ssub.s32 $0x2, s3;
	s17 =	sor.u32 s5, s4  }
0x8: {  	s3 =	sadd.s32 $0x1600, s0;
	s31 =	sshrl.u32 s30, $0x1;
	s0 =	sadd.s32 s17, s0  }
0x9: {  	s19 =	ssub.s32 s30, s31;
	s17 =	sadd.s32 s1, s17;
	s1 =	simm.s32 $0x1  }
0xa: {  	s4 =	sadd.s32 $0x29200, s0;
	s5 =	sadd.s32 $0x29A00, s0;
	s6 =	sadd.s32 $0x2A200, s0  }
0xb: {  	s7 =	sadd.s32 $0x2AA00, s0;
	s8 =	sadd.s32 $0x2B200, s0;
	s9 =	sadd.s32 $0x2BA00, s0  }
0xc: {  	s10 =	sadd.s32 $0x2C200, s0;
	s11 =	sadd.s32 $0x2CA00, s0;
	s12 =	sadd.s32 $0x2D200, s0  }
0xd: {  	s13 =	sadd.s32 $0x2DA00, s0;
	s14 =	sadd.s32 $0x2E200, s0;
	s15 =	sadd.s32 $0x2EA00, s0  }
0xe: {  	s16 =	sadd.s32 $0x2F200, s0;
	s18 =	sadd.s32 $0x36200, s0;
	s19 =	smax.u32 s19, $0x1  }
.LBB2_1:
0xf: {  	[tilespmem:s2], [sflag:$0x1] =	stream.linear.gather [hbm4b:s4+s2], $0x200, $0x38;
	[tilespmem:$0x3600] =	vst v63  }
0x10: {  	s0 =	simm.s32 $0x200  }
0x11: {  	[tilespmem:s0], [sflag:$0x1] =	stream.linear.gather [hbm4b:s5+s2], $0x200, $0x38;
	[tilespmem:$0x3600] =	vst v63  }
0x12: {  	s22 =	simm.s32 $0x400  }
0x13: {  	[tilespmem:s22], [sflag:$0x1] =	stream.linear.gather [hbm4b:s6+s2], $0x200, $0x38;
	[tilespmem:$0x3600] =	vst v63  }
0x14: {  	s21 =	simm.s32 $0x600  }
0x15: {  	[tilespmem:s21], [sflag:$0x1] =	stream.linear.gather [hbm4b:s7+s2], $0x200, $0x38;
	[tilespmem:$0x3600] =	vst v63  }
0x16: {  	_ = 	snop  }
0x17: {  	[tilespmem:s23], [sflag:$0x1] =	stream.linear.gather [hbm4b:s8+s2], $0x200, $0x38;
	[tilespmem:$0x3600] =	vst v63  }
0x18: {  	_ = 	snop  }
0x19: {  	[tilespmem:s24], [sflag:$0x1] =	stream.linear.gather [hbm4b:s9+s2], $0x200, $0x38;
	[tilespmem:$0x3600] =	vst v63  }
0x1a: {  	s22 =	simm.s32 $0xC00  }
0x1b: {  	[tilespmem:s22], [sflag:$0x1] =	stream.linear.gather [hbm4b:s10+s2], $0x200, $0x38;
	[tilespmem:$0x3600] =	vst v63  }
0x1c: {  	s21 =	simm.s32 $0xE00  }
0x1d: {  	[tilespmem:s21], [sflag:$0x1] =	stream.linear.gather [hbm4b:s11+s2], $0x200, $0x38;
	[tilespmem:$0x3600] =	vst v63  }
0x1e: {  	s22 =	simm.s32 $0x1000  }
0x1f: {  	[tilespmem:s22], [sflag:$0x1] =	stream.linear.gather [hbm4b:s12+s2], $0x200, $0x38;
	[tilespmem:$0x3600] =	vst v63  }
0x20: {  	_ = 	snop  }
0x21: {  	[tilespmem:s29], [sflag:$0x1] =	stream.linear.gather [hbm4b:s13+s2], $0x200, $0x38;
	[tilespmem:$0x3600] =	vst v63  }
0x22: {  	s21 =	simm.s32 $0x1400  }
0x23: {  	[tilespmem:s21], [sflag:$0x1] =	stream.linear.gather [hbm4b:s14+s2], $0x200, $0x38;
	[tilespmem:$0x3600] =	vst v63  }
0x24: {  	s22 =	simm.s32 $0x1600  }
0x25: {  	[tilespmem:s22], [sflag:$0x1] =	stream.linear.gather [hbm4b:s15+s2], $0x200, $0x38;
	[tilespmem:$0x3600] =	vst v63  }
0x26: {  	s21 =	simm.s32 $0x1800  }
0x27: {  	[tilespmem:s21], [sflag:$0x1] =	stream.linear.gather [hbm4b:s16+s2], $0x200, $0x38;
	[tilespmem:$0x3600] =	vst v63  }
0x28: {  	_ = 	snop  }
0x29: {  	[tilespmem:s25], [sflag:$0x2] =	stream.linear.gather [hbm4b:s17+s2], $0x200, $0x38;
	[tilespmem:$0x3600] =	vst v63  }
0x2a: {  	_ =	swait.ge [sflag:s1], $0x200  }
0x2b: {  	[sflag:s1] =	ssyncset.done $0x0  }
0x2c: {  	[sflag:s1] =	ssyncadd.s32 $0xFFFFFE00  }
0x2d: {  	_ =	swait.ge [sflag:s1], $0x200  }
0x2e: {  	[sflag:s1] =	ssyncset.done $0x0  }
0x2f: {  	[sflag:s1] =	ssyncadd.s32 $0xFFFFFE00  }
0x30: {  	_ =	swait.ge [sflag:s1], $0x200  }
0x31: {  	[sflag:s1] =	ssyncset.done $0x0  }
0x32: {  	[sflag:s1] =	ssyncadd.s32 $0xFFFFFE00  }
0x33: {  	_ =	swait.ge [sflag:s1], $0x200  }
0x34: {  	[sflag:s1] =	ssyncset.done $0x0  }
0x35: {  	[sflag:s1] =	ssyncadd.s32 $0xFFFFFE00  }
0x36: {  	_ =	swait.ge [sflag:s1], $0x200  }
0x37: {  	[sflag:s1] =	ssyncset.done $0x0  }
0x38: {  	[sflag:s1] =	ssyncadd.s32 $0xFFFFFE00  }
0x39: {  	_ =	swait.ge [sflag:s1], $0x200  }
0x3a: {  	[sflag:s1] =	ssyncset.done $0x0  }
0x3b: {  	[sflag:s1] =	ssyncadd.s32 $0xFFFFFE00  }
0x3c: {  	_ =	swait.ge [sflag:s1], $0x200  }
0x3d: {  	[sflag:s1] =	ssyncset.done $0x0  }
0x3e: {  	[sflag:s1] =	ssyncadd.s32 $0xFFFFFE00  }
0x3f: {  	_ =	swait.ge [sflag:s1], $0x200  }
0x40: {  	[sflag:s1] =	ssyncset.done $0x0  }
0x41: {  	[sflag:s1] =	ssyncadd.s32 $0xFFFFFE00  }
0x42: {  	_ =	swait.ge [sflag:s1], $0x200  }
0x43: {  	[sflag:s1] =	ssyncset.done $0x0  }
0x44: {  	[sflag:s1] =	ssyncadd.s32 $0xFFFFFE00  }
0x45: {  	_ =	swait.ge [sflag:s1], $0x200  }
0x46: {  	[sflag:s1] =	ssyncset.done $0x0  }
0x47: {  	[sflag:s1] =	ssyncadd.s32 $0xFFFFFE00  }
0x48: {  	_ =	swait.ge [sflag:s1], $0x200  }
0x49: {  	[sflag:s1] =	ssyncset.done $0x0  }
0x4a: {  	[sflag:s1] =	ssyncadd.s32 $0xFFFFFE00  }
0x4b: {  	_ =	swait.ge [sflag:s1], $0x200  }
0x4c: {  	[sflag:s1] =	ssyncset.done $0x0  }
0x4d: {  	[sflag:s1] =	ssyncadd.s32 $0xFFFFFE00  }
0x4e: {  	_ =	swait.ge [sflag:s1], $0x200  }
0x4f: {  	[sflag:s1] =	ssyncset.done $0x0  }
0x50: {  	[sflag:s1] =	ssyncadd.s32 $0xFFFFFE00  }
0x51: {  	_ =	swait.ge [sflag:s20], $0x200  }
0x52: {  	[sflag:s20] =	ssyncset.done $0x0  }
0x53: {  	s31 =	simm.s32 $0x1A00;
	[sflag:s20] =	ssyncadd.s32 $0xFFFFFE00  }
0x54: {  	[tilespmem:s31], [sflag:$0x1] =	stream.indirect.gather [hbm4b:s3+s24], $0x1, s2, s24, $0xb8;
	[tilespmem:$0x3600] =	vst v63  }
0x55: {  	s22 =	simm.s32 $0x2400  }
0x56: {  	[tilespmem:s22], [sflag:$0x2] =	stream.indirect.gather [hbm4b:s3+s23], $0x1, s24, s23, $0xb8;
	[tilespmem:$0x3600] =	vst v63  }
0x57: {  	_ =	swait.ge [sflag:s1], $0xA00  }
0x58: {  	[sflag:s1] =	ssyncset.done $0x0  }
0x59: {  	[sflag:s1] =	ssyncadd.s32 $0xFFFFF600  }
0x5a: {  	v0 =	vld [tilespmem:s31+$0x0]  }
0x5b: {  	s30 =	simm.s32 $0x3400;
	s0 =	simm.s32 $0x10;
	s21 =	simm.s32 $0x0;
	v1 =	vld [tilespmem:s25+$0x0]  }
.LBB2_2:
0x5c: {  	p0 =	sne.s32 s0, $0x1F0;
	s22 =	sand.u32 $0x1F0, s21;
	s21 =	smov.u32 s0  }
0x5d: {  	v2 =	vld [tilespmem:s22+$0x1C00];
	_ =	sdelay $0x1  }
0x5e: {  	v3 =	vld [tilespmem:s22+$0x1E00]  }
0x5f: {  	v0 =	vadd.f32 v0, v1  }
0x60: {  	v1 =	vld [tilespmem:s22+$0x2000]  }
0x61: {  	v0 =	vadd.f32 v2, v0  }
0x62: {  	v2 =	vld [tilespmem:s22+$0x2200]  }
0x63: {  	v0 =	vadd.f32 v3, v0;
	_ =	sdelay $0x1  }
0x64: {  	v0 =	vadd.f32 v1, v0;
	_ =	sdelay $0x1  }
.Ltmp0:
0x65: {  	v0 =	vadd.f32 v2, v0;
	(pc) =	sbr.rel @p0 .LBB2_2-.Ltmp0, $4  }
0x66: {  	_ = 	snop  }
0x67: {  	s31 =	sadd.s32 $0x10, s31;
	[tilespmem:s30+$0x0] =	vst v0  }
0x68: {  	s30 =	sadd.s32 $0x10, s30;
	v0 =	vld [tilespmem:s31+$0x0]  }
0x69: {  	s0 =	sadd.s32 $0x10, s0;
	v1 =	vld [tilespmem:s30+$0x0]  }
0x6a: {  	s0 =	sand.u32 $0x1F0, s21  }
0x6b: {  	v2 =	vld [tilespmem:s0+$0x1C00];
	_ =	sdelay $0x1  }
0x6c: {  	v3 =	vld [tilespmem:s0+$0x1E00]  }
0x6d: {  	v0 =	vadd.f32 v0, v1  }
0x6e: {  	v1 =	vld [tilespmem:s0+$0x2000]  }
0x6f: {  	v0 =	vadd.f32 v2, v0  }
0x70: {  	v2 =	vld [tilespmem:s0+$0x2200]  }
0x71: {  	v0 =	vadd.f32 v3, v0;
	_ =	sdelay $0x1  }
0x72: {  	v0 =	vadd.f32 v1, v0;
	_ =	sdelay $0x1  }
0x73: {  	v0 =	vadd.f32 v2, v0;
	_ =	sdelay $0x1  }
0x74: {  	s22 =	simm.s32 $0x2C00;
	[tilespmem:s30+$0x0] =	vst v0  }
0x75: {  	[tilespmem:s22], [sflag:$0x1] =	stream.indirect.gather [hbm4b:s3+s23], $0x1, s29, s23, $0xb8;
	[tilespmem:$0x3600] =	vst v63  }
0x76: {  	_ =	swait.ge [sflag:s20], $0x800  }
0x77: {  	s31 =	simm.s32 $0x0;
	[sflag:s20] =	ssyncset.done $0x0  }
0x78: {  	s21 =	sand.u32 $0x1F0, s31;
	[sflag:s20] =	ssyncadd.s32 $0xFFFFF800  }
0x79: {  	s0 =	simm.s32 $0x10;
	s30 =	simm.s32 $0x3400;
	v0 =	vld [tilespmem:s21+$0x2400]  }
.LBB2_4:
0x7a: {  	p0 =	sne.s32 s0, $0x1F0;
	v1 =	vld [tilespmem:s30+$0x0];
	_ =	sdelay $0x1  }
0x7b: {  	v2 =	vld [tilespmem:s21+$0x2600];
	_ =	sdelay $0x1  }
0x7c: {  	v3 =	vld [tilespmem:s21+$0x2800]  }
0x7d: {  	v0 =	vadd.f32 v0, v1  }
0x7e: {  	v1 =	vld [tilespmem:s21+$0x2A00]  }
0x7f: {  	v0 =	vadd.f32 v2, v0;
	_ =	sdelay $0x1  }
0x80: {  	v0 =	vadd.f32 v3, v0  }
.Ltmp1:
0x81: {  	(pc) =	sbr.rel @p0 .LBB2_4-.Ltmp1, $3  }
0x82: {  	v0 =	vadd.f32 v1, v0;
	_ =	sdelay $0x1  }
0x83: {  	s21 =	sand.u32 $0x1F0, s0;
	[tilespmem:s30+$0x0] =	vst v0  }
0x84: {  	s0 =	sadd.s32 $0x10, s0;
	s30 =	sadd.s32 $0x10, s30;
	v0 =	vld [tilespmem:s21+$0x2400]  }
0x85: {  	v1 =	vld [tilespmem:s30+$0x0];
	_ =	sdelay $0x1  }
0x86: {  	v2 =	vld [tilespmem:s21+$0x2600];
	_ =	sdelay $0x1  }
0x87: {  	v3 =	vld [tilespmem:s21+$0x2800]  }
0x88: {  	v0 =	vadd.f32 v0, v1  }
0x89: {  	v1 =	vld [tilespmem:s21+$0x2A00]  }
0x8a: {  	v0 =	vadd.f32 v2, v0;
	_ =	sdelay $0x1  }
0x8b: {  	v0 =	vadd.f32 v3, v0;
	_ =	sdelay $0x1  }
0x8c: {  	v0 =	vadd.f32 v1, v0;
	_ =	sdelay $0x1  }
0x8d: {  	[tilespmem:s30+$0x0] =	vst v0  }
0x8e: {  	_ =	swait.ge [sflag:s1], $0x800  }
0x8f: {  	s0 =	simm.s32 $0x0;
	[sflag:s1] =	ssyncset.done $0x0  }
0x90: {  	s21 =	sand.u32 $0x1F0, s0;
	[sflag:s1] =	ssyncadd.s32 $0xFFFFF800  }
0x91: {  	s0 =	simm.s32 $0x10;
	s30 =	simm.s32 $0x3400;
	v0 =	vld [tilespmem:s21+$0x2C00]  }
.LBB2_6:
0x92: {  	p0 =	sne.s32 s0, $0x1F0;
	v1 =	vld [tilespmem:s30+$0x0];
	_ =	sdelay $0x1  }
0x93: {  	v2 =	vld [tilespmem:s21+$0x2E00];
	_ =	sdelay $0x1  }
0x94: {  	v3 =	vld [tilespmem:s21+$0x3000]  }
0x95: {  	v0 =	vadd.f32 v0, v1  }
0x96: {  	v1 =	vld [tilespmem:s21+$0x3200]  }
0x97: {  	v0 =	vadd.f32 v2, v0;
	_ =	sdelay $0x1  }
0x98: {  	v0 =	vadd.f32 v3, v0  }
.Ltmp2:
0x99: {  	(pc) =	sbr.rel @p0 .LBB2_6-.Ltmp2, $3  }
0x9a: {  	v0 =	vadd.f32 v1, v0;
	_ =	sdelay $0x1  }
0x9b: {  	s21 =	sand.u32 $0x1F0, s0;
	[tilespmem:s30+$0x0] =	vst v0  }
0x9c: {  	s0 =	sadd.s32 $0x10, s0;
	s30 =	sadd.s32 $0x10, s30;
	v0 =	vld [tilespmem:s21+$0x2C00]  }
0x9d: {  	v1 =	vld [tilespmem:s30+$0x0];
	_ =	sdelay $0x1  }
0x9e: {  	v2 =	vld [tilespmem:s21+$0x2E00];
	_ =	sdelay $0x1  }
0x9f: {  	v3 =	vld [tilespmem:s21+$0x3000]  }
0xa0: {  	v0 =	vadd.f32 v0, v1  }
0xa1: {  	v63 =	vld [tilespmem:s21+$0x3200]  }
0xa2: {  	v0 =	vadd.f32 v2, v0;
	_ =	sdelay $0x1  }
0xa3: {  	v0 =	vadd.f32 v3, v0;
	_ =	sdelay $0x1  }
0xa4: {  	s28 =	sadd.s32 $0x1, s28;
	v0 =	vadd.f32 v63, v0  }
0xa5: {  	p0 =	sne.s32 s28, s19  }
.Ltmp3:
0xa6: {  	[tilespmem:s30+$0x0] =	vst v0;
	(pc) =	sbr.rel @p0 .LBB2_1-.Ltmp3, $4  }
0xa7: {  	[hbm4b:s18+s2] =	stream.linear.scatter [tilespmem:s25], [sflag:$0x3], $0x200, $0x38;
	[tilespmem:$0x3600] =	vst v63  }
0xa8: {  	_ =	swait.ge [sflag:s26], $0x200  }
0xa9: {  	[sflag:s26] =	ssyncset.done $0x0  }
0xaa: {  	[sflag:s26] =	ssyncadd.s32 $0xFFFFFE00  }
0xab: {  	_ =	sfence.sel $0x180000  }
0xac: {  	[bflag:$0x0] =	sbarrier.arrive $0xFFFF  }
0xad: {  	_ =	strace $0x90000047  }
0xae: {  	s0 =	stileid.u32;
	[bflag:$0x2] =	sbarrier.arrive $0xFFFF  }
0xaf: {  	p0 =	sne.s32 s0, $0x0;
	s0 =	rddreg [dreg:$0x2]  }
0xb0: {  	s0 =	sadd.s32 @!p0 $0x100000, s0  }
0xb1: {  	[sflag:s0] =	ssyncadd.tile.s32 @!p0 $0x1;
	_ =	shalt  }
.Lfunc_end2:
_tile_overlayer_lowered:
.L_overlay_start_2:
0xb2: {  	(tag) =	ssettag $0x2  }
0xb3: {  	s0 =	rddreg [dreg:$0x0];
	s2 =	stileid.u32  }
0xb4: {  	s1 =	rddreg [dreg:$0x1];
	p0 =	sne.s32 s2, $0x0  }
0xb5: {  	s3 =	rddreg [dreg:$0x2];
	[bflag:$0x3] =	sbarrier.arrive $0xFFFF;
	s2 =	simm.s32 @!p0 $0x1C03  }
0xb6: {  	[timem:s3], [sflag:s2] =	dma.local @!p0 [hbm:s0], s1  }
0xb7: {  	s0 =	simm.s32 @!p0 $0x3  }
0xb8: {  	_ =	swait.ge @!p0 [sflag:s0], s1  }
0xb9: {  	s1 =	ssub.s32 @!p0 $0x0, s1;
	[sflag:s0] =	ssyncset.done @!p0 $0x0  }
0xba: {  	[sflag:s0] =	ssyncadd.s32 @!p0 s1  }
0xbb: {  	[bflag:$0x3] =	sbarrier.arrive $0xFFFF  }
0xbc: {  	_ =	shalt  }

// kernel: kernel.8.cloned.1.call-start
scs
__scs_entry_jumppad:
0x0: {  	(pc) =	sbr.rel $0x88, $3  }
0x1: {  	(tag) =	ssettag $0x0;
	lr =	simm.s32 $0x1  }
0x2: {  	[smem:$0x3F9E] =	sst lr;
	_ =	strace $0xD0000000  }
0x3: {  	_ = 	snop  }
0x4: {  	_ = 	snop  }
0x5: {  	_ = 	snop  }
0x6: {  	_ = 	snop  }
0x7: {  	_ = 	snop  }
__scs_overlays_trampoline_lowered:
0x8: {  	[smem:$0x3FAD] =	sst s0  }
0x9: {  	[smem:$0x3FAE] =	sst s1  }
0xa: {  	[smem:$0x3FAF] =	sst s2  }
0xb: {  	[smem:$0x3FB0] =	sst s3  }
0xc: {  	[smem:$0x3FB1] =	sst s4  }
0xd: {  	[smem:$0x3FB2] =	sst s5  }
0xe: {  	[smem:$0x3FB3] =	sst s6  }
0xf: {  	[smem:$0x3FB4] =	sst s7  }
0x10: {  	[smem:$0x3FB5] =	sst s8  }
0x11: {  	[smem:$0x3FB6] =	sst s9;
	s0 =	simm.s32 @!p0 $0x0  }
0x12: {  	s1 =	sld [smem:$0x3F9C];
	s0 =	simm.s32 @p0 $0x1  }
0x13: {  	[smem:$0x3FB7] =	sst s0;
	s0 =	simm.s32 @!p1 $0x0  }
0x14: {  	s2 =	sld [smem:$0x3F9B];
	s0 =	simm.s32 @p1 $0x1  }
0x15: {  	[smem:$0x3FB8] =	sst s0;
	s0 =	simm.s32 @!p2 $0x0  }
0x16: {  	s3 =	sld [smem:$0x3FDB];
	s0 =	simm.s32 @p2 $0x1  }
0x17: {  	s4 =	simm.s32 $0x1BF5;
	[smem:$0x3FBA] =	sst s0  }
0x18: {  	s0 =	sld [smem:$0x3F9D];
	_ =	swait.ge [sflag:s4], $0x0  }
0x19: {  	s7 =	sld [smem:$0x3F9E]  }
0x1a: {  	s8 =	sadd.s32 $0xFFFFE003, lr  }
0x1b: {  	s9 =	sadd.s32 $0xFFFFFEF7, lr;
	s5 =	simm.s32 $0xFFFFFFFF;
	p2 =	slt.u32 s8, $0xFFFFF086  }
0x1c: {  	p1 =	slt.u32 s9, $0xF7A;
	s5 =	simm.s32 @!p2 $0x0  }
0x1d: {  	s5 =	simm.s32 @p1 $0x1;
	p0 =	seq.s32 s7, s2  }
0x1e: {  	s7 =	smul.u32 @!p0 $0xF7A, s2;
	p2 =	seq.s32 @!p0 s5, $0x0  }
0x1f: {  	s9 =	smul.u32 $0xF7A, s1;
	s8 =	simm.s32 @!p0 $0x1BF5;
	p2 =	por !p2, p0  }
0x20: {  	[sflag:s8] =	ssyncset.s32 @!p0 $0xFFFFF086;
	s6 =	sadd.s32 @!p0 s3, s7;
	s7 =	simm.s32 @!p0 $0x108  }
0x21: {  	s3 =	sadd.s32 s3, s9;
	s6 =	sadd.s32 @!p0 $0x88, s6;
	s7 =	simm.s32 @p2 $0x1082  }
0x22: {  	[simem:s7], [sflag:s8] =	dma.local @!p0 [hbm:s6], $0xF7A  }
0x23: {  	s9 =	sor.u32 $0xD0000000, s2;
	s6 =	simm.s32 $0x108;
	_ =	swait.ge @!p0 [sflag:s8], $0x0  }
0x24: {  	s3 =	sadd.s32 $0x88, s3;
	s6 =	simm.s32 @!p1 $0x1082;
	[sflag:s4] =	ssyncset.s32 $0xFFFFF086  }
0x25: {  	[simem:s6], [sflag:s4] =	dma.local [hbm:s3], $0xF7A  }
0x26: {  	[smem:$0x3F9E] =	sst s1;
	(tag) =	ssettag s2;
	_ =	strace s9  }
0x27: {  	s1 =	sld [smem:$0x3FAE]  }
0x28: {  	s2 =	sld [smem:$0x3FAF]  }
0x29: {  	s4 =	sld [smem:$0x3FB1]  }
0x2a: {  	p0 =	seq.s32 s5, $0x0;
	s5 =	sld [smem:$0x3FB2]  }
0x2b: {  	s6 =	sld [smem:$0x3FB3]  }
0x2c: {  	s7 =	sld [smem:$0x3FB4]  }
0x2d: {  	s3 =	simm.s32 $0x108;
	s8 =	sld [smem:$0x3FB5]  }
0x2e: {  	s3 =	simm.s32 @!p0 $0x1082;
	s9 =	sld [smem:$0x3FB6]  }
0x2f: {  	lr =	sadd.s32 s0, s3;
	s0 =	sld [smem:$0x3FAD]  }
0x30: {  	s3 =	sld [smem:$0x3FB0]  }
0x31: {  	[smem:$0x3FB9] =	sst s10  }
0x32: {  	s10 =	sld [smem:$0x3FB7];
	_ =	sdelay $0x3  }
0x33: {  	p0 =	seq.s32 s10, $0x1;
	s10 =	sld [smem:$0x3FB9];
	_ =	sdelay $0x3  }
0x34: {  	[smem:$0x3FB9] =	sst s10  }
0x35: {  	s10 =	sld [smem:$0x3FB8];
	_ =	sdelay $0x3  }
0x36: {  	p1 =	seq.s32 s10, $0x1;
	s10 =	sld [smem:$0x3FB9];
	_ =	sdelay $0x3  }
0x37: {  	[smem:$0x3FB9] =	sst s10  }
0x38: {  	s10 =	sld [smem:$0x3FBA]  }
0x39: {  	_ = 	snop;
	(pc) =	sbr.ind lr, $3  }
0x3a: {  	_ = 	snop  }
0x3b: {  	_ = 	snop  }
0x3c: {  	p2 =	seq.s32 s10, $0x1;
	s10 =	sld [smem:$0x3FB9]  }
0x3d: {  	_ =	shalt  }
0x3e: {  	_ =	shalt  }
0x3f: {  	_ =	shalt  }
0x40: {  	_ =	shalt  }
0x41: {  	_ =	shalt  }
0x42: {  	_ =	shalt  }
0x43: {  	_ =	shalt  }
0x44: {  	_ =	shalt  }
0x45: {  	_ =	shalt  }
0x46: {  	_ =	shalt  }
0x47: {  	_ =	shalt  }
0x48: {  	_ =	shalt  }
0x49: {  	_ =	shalt  }
0x4a: {  	_ =	shalt  }
0x4b: {  	_ =	shalt  }
0x4c: {  	_ =	shalt  }
0x4d: {  	_ =	shalt  }
0x4e: {  	_ =	shalt  }
0x4f: {  	_ =	shalt  }
0x50: {  	_ =	shalt  }
0x51: {  	_ =	shalt  }
0x52: {  	_ =	shalt  }
0x53: {  	_ =	shalt  }
0x54: {  	_ =	shalt  }
0x55: {  	_ =	shalt  }
0x56: {  	_ =	shalt  }
0x57: {  	_ =	shalt  }
0x58: {  	_ =	shalt  }
0x59: {  	_ =	shalt  }
0x5a: {  	_ =	shalt  }
0x5b: {  	_ =	shalt  }
0x5c: {  	_ =	shalt  }
0x5d: {  	_ =	shalt  }
0x5e: {  	_ =	shalt  }
0x5f: {  	_ =	shalt  }
0x60: {  	_ =	shalt  }
0x61: {  	_ =	shalt  }
0x62: {  	_ =	shalt  }
0x63: {  	_ =	shalt  }
0x64: {  	_ =	shalt  }
0x65: {  	_ =	shalt  }
0x66: {  	_ =	shalt  }
0x67: {  	_ =	shalt  }
0x68: {  	_ =	shalt  }
0x69: {  	_ =	shalt  }
0x6a: {  	_ =	shalt  }
0x6b: {  	_ =	shalt  }
0x6c: {  	_ =	shalt  }
0x6d: {  	_ =	shalt  }
0x6e: {  	_ =	shalt  }
0x6f: {  	_ =	shalt  }
0x70: {  	_ =	shalt  }
0x71: {  	_ =	shalt  }
0x72: {  	_ =	shalt  }
0x73: {  	_ =	shalt  }
0x74: {  	_ =	shalt  }
0x75: {  	_ =	shalt  }
0x76: {  	_ =	shalt  }
0x77: {  	_ =	shalt  }
0x78: {  	_ =	shalt  }
0x79: {  	_ =	shalt  }
0x7a: {  	_ =	shalt  }
0x7b: {  	_ =	shalt  }
0x7c: {  	_ =	shalt  }
0x7d: {  	_ =	shalt  }
0x7e: {  	_ =	shalt  }
0x7f: {  	_ =	shalt  }
0x80: {  	_ =	shalt  }
0x81: {  	_ =	shalt  }
0x82: {  	_ =	shalt  }
0x83: {  	_ =	shalt  }
0x84: {  	_ =	shalt  }
0x85: {  	_ =	shalt  }
0x86: {  	_ =	shalt  }
0x87: {  	_ =	shalt  }
.Lfunc_end0:
.L_simem_size_0:
called_computation.1_lowered:
.L_overlay_start_0:
0x88: {  	s2 =	sld [smem:$0x3FD9]  }
0x89: {  	s3 =	sld [smem:$0x3FFE];
	_ =	sdelay $0x1  }
0x8a: {  	s1 =	srdreg.scid  }
0x8b: {  	s0 =	sand.u32 $0x1, s1  }
0x8c: {  	s17 =	sshll.u32 s0, $0xA;
	s2 =	sadd.s32 s3, s2  }
0x8d: {  	s2 =	sadd.s32 s2, s17  }
0x8e: {  	[smem:$0x3FC5] =	sst s2  }
0x8f: {  	_ = 	snop  }
0x90: {  	s2 =	sld [smem:$0x3FD0];
	(tm) =	ssettm $0x1  }
0x91: {  	s18 =	sld [smem:$0x3FFB];
	_ =	sdelay $0x3  }
0x92: {  	_ =	strace s18  }
0x93: {  	s3 =	sld [smem:$0x3FFC];
	_ =	sdelay $0x3  }
0x94: {  	_ =	strace s3  }
0x95: {  	s3 =	sld [smem:$0x3FFD];
	_ =	sdelay $0x3  }
0x96: {  	_ =	strace s3  }
0x97: {  	_ =	strace $0x8FFFFFFF  }
0x98: {  	s19 =	sld [smem:$0x3FDB];
	_ =	sdelay $0x1  }
0x99: {  	s4 =	simm.s32 $_scs_section_size  }
0x9a: {  	s5 =	simm.s32 $_size__tile_overlayer_lowered;
	s6 =	simm.s32 $_tile_overlayer_lowered  }
0x9b: {  	s22 =	simm.s32 $0x1BFF;
	s21 =	sshll.u32 s6, $0x1;
	s3 =	sadd.s32 s4, s19  }
0x9c: {  	s7 =	simm.s32 $0x0;
	s20 =	sshll.u32 s5, $0x1;
	s5 =	sadd.s32 s21, s3  }
0x9d: {  	[timem:s7], [sflag:s22] =	dma.local [hbm:s5], s20  }
0x9e: {  	_ =	swait.ge [sflag:s22], s20  }
0x9f: {  	s4 =	ssub.s32 $0x0, s20;
	[sflag:s22] =	ssyncset.done $0x0  }
0xa0: {  	[sflag:s22] =	ssyncadd.s32 s4;
	_ =	sdelay $0x1  }
0xa1: {  	s23 =	simm.s32 $0x1B8B  }
0xa2: {  	_ =	swait.ge [sflag:s23], $0x1  }
0xa3: {  	[sflag:s23] =	ssyncset.done $0x0  }
0xa4: {  	s25 =	simm.s32 $0x1B8E;
	s24 =	sld [smem:$0x3FFE];
	[sflag:s23] =	ssyncadd.s32 $0xFFFFFFFF  }
0xa5: {  	s26 =	simm.s32 $execute0_lowered;
	[smem:$0x3FD2] =	sst s25  }
0xa6: {  	s5 =	sshll.u32 s26, $0x1;
	_ =	strace $0x80000049;
	[dreg:$0x1] =	wrdreg $0xFFFFFFFF  }
0xa7: {  	s28 =	simm.s32 $_size_execute0_lowered;
	s3 =	sadd.s32 s3, s5;
	[dreg:$0x0] =	wrdreg $0x0  }
0xa8: {  	s5 =	sshll.u32 s28, $0x1;
	[dreg:$0x2] =	wrdreg s3  }
0xa9: {  	[dreg:$0x3] =	wrdreg s5  }
0xaa: {  	[dreg:$0x4] =	wrdreg $0xC0  }
0xab: {  	_ =	task [dreg:s7], $0x5FFFF  }
0xac: {  	[dreg:$0x1] =	wrdreg $0xFFFFFFFF  }
0xad: {  	[dreg:$0x0] =	wrdreg $0x60  }
0xae: {  	[dreg:$0x2] =	wrdreg s24  }
0xaf: {  	[dreg:$0x3] =	wrdreg s2  }
0xb0: {  	[dreg:$0x4] =	wrdreg $0x9  }
0xb1: {  	_ =	task.clear_ibuf [dreg:s7], $0x5FFFF;
	_ =	strace $0x90000049  }
0xb2: {  	s29 =	simm.s32 $0x9;
	_ =	strace $0x8000004B  }
0xb3: {  	_ =	swait.ge [sflag:s29], $0x1  }
0xb4: {  	[sflag:s29] =	ssyncadd.s32 $0xFFFFFFFF  }
0xb5: {  	_ =	strace $0x9000004B  }
0xb6: {  	_ =	sfence  }
0xb7: {  	s30 =	sld [smem:$0x0];
	_ =	sdelay $0x2  }
0xb8: {  	s31 =	sshll.u32 s1, $0xD;
	s1 =	sshrl.u32 s1, $0x2  }
0xb9: {  	s3 =	sand.u32 $0x4000, s31;
	s1 =	sadd.s32 s1, s30  }
0xba: {  	s0 =	sor.u32 s3, s0;
	s1 =	sshll.u32 s1, $0x11  }
0xbb: {  	s0 =	sor.u32 s1, s0  }
0xbc: {  	s0 =	sadd.s32 $0x8F2B, s0  }
0xbd: {  	[sflag:s0] =	ssyncadd.remote.s32 $0x1  }
0xbe: {  	_ =	sfence.sel $0xFFFF  }
0xbf: {  	[dreg:$0x0] =	wrdreg $0xFFFFFFFF;
	(pc) =	sbr.abs _section_cstart, $3  }
0xc0: {  	[dreg:$0x1] =	wrdreg $0xFFFFFFFF  }
0xc1: {  	_ =	task.clear_ibuf [dreg:s7], $0x2FFFF;
	_ =	strace $0x9FFFFFFF  }
0xc2: {  	(tm) =	ssettm $0x7FFFFFFF  }
0xc3: {  	_ =	shalt  }
tec
execute0_lowered:
.L_overlay_start_1:
0x0: {  	(tag) =	ssettag $0x1  }
0x1: {  	s0 =	rddreg [dreg:$0x0]  }
0x2: {  	s1 =	rddreg [dreg:$0x1];
	s3 =	srdreg.scid;
	s2 =	simm.s32 $0x0  }
0x3: {  	s4 =	stileid.u32;
	s23 =	simm.s32 $0x800;
	s24 =	simm.s32 $0xA00  }
0x4: {  	s29 =	simm.s32 $0x1200;
	s20 =	simm.s32 $0x2;
	s25 =	simm.s32 $0x3400  }
0x5: {  	s26 =	simm.s32 $0x3;
	s28 =	simm.s32 $0x0;
	s3 =	sand.u32 $0x1, s3  }
0x6: {  	[smem:$0x7FF] =	sst s2;
	s4 =	sshll.u32 s4, $0x7;
	s5 =	sshll.u32 s3, $0x6  }
0x7: {  	_ =	strace $0x8000004A;
	s30 =	ssub.s32 $0x2, s3;
	s18 =	sor.u32 s5, s4  }
0x8: {  	s3 =	sadd.s32 $0x36A00, s0;
	s31 =	sshrl.u32 s30, $0x1;
	s17 =	sadd.s32 s18, s0  }
0x9: {  	s0 =	ssub.s32 s30, s31;
	s18 =	sadd.s32 s1, s18;
	s1 =	simm.s32 $0x1  }
0xa: {  	s4 =	sadd.s32 $0x2FA00, s17;
	s5 =	sadd.s32 $0x30200, s17;
	s6 =	sadd.s32 $0x30A00, s17  }
0xb: {  	s7 =	sadd.s32 $0x31200, s17;
	s8 =	sadd.s32 $0x31A00, s17;
	s9 =	sadd.s32 $0x32200, s17  }
0xc: {  	s10 =	sadd.s32 $0x32A00, s17;
	s11 =	sadd.s32 $0x33200, s17;
	s12 =	sadd.s32 $0x33A00, s17  }
0xd: {  	s13 =	sadd.s32 $0x34200, s17;
	s14 =	sadd.s32 $0x34A00, s17;
	s15 =	sadd.s32 $0x35200, s17  }
0xe: {  	s16 =	sadd.s32 $0x35A00, s17;
	s17 =	sadd.s32 $0x36200, s17;
	s19 =	smax.u32 s0, $0x1  }
.LBB2_1:
0xf: {  	[tilespmem:s2], [sflag:$0x1] =	stream.linear.gather [hbm4b:s4+s2], $0x200, $0x38;
	[tilespmem:$0x3600] =	vst v63  }
0x10: {  	s0 =	simm.s32 $0x200  }
0x11: {  	[tilespmem:s0], [sflag:$0x1] =	stream.linear.gather [hbm4b:s5+s2], $0x200, $0x38;
	[tilespmem:$0x3600] =	vst v63  }
0x12: {  	s22 =	simm.s32 $0x400  }
0x13: {  	[tilespmem:s22], [sflag:$0x1] =	stream.linear.gather [hbm4b:s6+s2], $0x200, $0x38;
	[tilespmem:$0x3600] =	vst v63  }
0x14: {  	s21 =	simm.s32 $0x600  }
0x15: {  	[tilespmem:s21], [sflag:$0x1] =	stream.linear.gather [hbm4b:s7+s2], $0x200, $0x38;
	[tilespmem:$0x3600] =	vst v63  }
0x16: {  	_ = 	snop  }
0x17: {  	[tilespmem:s23], [sflag:$0x1] =	stream.linear.gather [hbm4b:s8+s2], $0x200, $0x38;
	[tilespmem:$0x3600] =	vst v63  }
0x18: {  	_ = 	snop  }
0x19: {  	[tilespmem:s24], [sflag:$0x1] =	stream.linear.gather [hbm4b:s9+s2], $0x200, $0x38;
	[tilespmem:$0x3600] =	vst v63  }
0x1a: {  	s22 =	simm.s32 $0xC00  }
0x1b: {  	[tilespmem:s22], [sflag:$0x1] =	stream.linear.gather [hbm4b:s10+s2], $0x200, $0x38;
	[tilespmem:$0x3600] =	vst v63  }
0x1c: {  	s21 =	simm.s32 $0xE00  }
0x1d: {  	[tilespmem:s21], [sflag:$0x1] =	stream.linear.gather [hbm4b:s11+s2], $0x200, $0x38;
	[tilespmem:$0x3600] =	vst v63  }
0x1e: {  	s22 =	simm.s32 $0x1000  }
0x1f: {  	[tilespmem:s22], [sflag:$0x1] =	stream.linear.gather [hbm4b:s12+s2], $0x200, $0x38;
	[tilespmem:$0x3600] =	vst v63  }
0x20: {  	_ = 	snop  }
0x21: {  	[tilespmem:s29], [sflag:$0x1] =	stream.linear.gather [hbm4b:s13+s2], $0x200, $0x38;
	[tilespmem:$0x3600] =	vst v63  }
0x22: {  	s21 =	simm.s32 $0x1400  }
0x23: {  	[tilespmem:s21], [sflag:$0x1] =	stream.linear.gather [hbm4b:s14+s2], $0x200, $0x38;
	[tilespmem:$0x3600] =	vst v63  }
0x24: {  	s22 =	simm.s32 $0x1600  }
0x25: {  	[tilespmem:s22], [sflag:$0x1] =	stream.linear.gather [hbm4b:s15+s2], $0x200, $0x38;
	[tilespmem:$0x3600] =	vst v63  }
0x26: {  	s21 =	simm.s32 $0x1800  }
0x27: {  	[tilespmem:s21], [sflag:$0x1] =	stream.linear.gather [hbm4b:s16+s2], $0x200, $0x38;
	[tilespmem:$0x3600] =	vst v63  }
0x28: {  	_ = 	snop  }
0x29: {  	[tilespmem:s25], [sflag:$0x2] =	stream.linear.gather [hbm4b:s17+s2], $0x200, $0x38;
	[tilespmem:$0x3600] =	vst v63  }
0x2a: {  	_ =	swait.ge [sflag:s1], $0x200  }
0x2b: {  	[sflag:s1] =	ssyncset.done $0x0  }
0x2c: {  	[sflag:s1] =	ssyncadd.s32 $0xFFFFFE00  }
0x2d: {  	_ =	swait.ge [sflag:s1], $0x200  }
0x2e: {  	[sflag:s1] =	ssyncset.done $0x0  }
0x2f: {  	[sflag:s1] =	ssyncadd.s32 $0xFFFFFE00  }
0x30: {  	_ =	swait.ge [sflag:s1], $0x200  }
0x31: {  	[sflag:s1] =	ssyncset.done $0x0  }
0x32: {  	[sflag:s1] =	ssyncadd.s32 $0xFFFFFE00  }
0x33: {  	_ =	swait.ge [sflag:s1], $0x200  }
0x34: {  	[sflag:s1] =	ssyncset.done $0x0  }
0x35: {  	[sflag:s1] =	ssyncadd.s32 $0xFFFFFE00  }
0x36: {  	_ =	swait.ge [sflag:s1], $0x200  }
0x37: {  	[sflag:s1] =	ssyncset.done $0x0  }
0x38: {  	[sflag:s1] =	ssyncadd.s32 $0xFFFFFE00  }
0x39: {  	_ =	swait.ge [sflag:s1], $0x200  }
0x3a: {  	[sflag:s1] =	ssyncset.done $0x0  }
0x3b: {  	[sflag:s1] =	ssyncadd.s32 $0xFFFFFE00  }
0x3c: {  	_ =	swait.ge [sflag:s1], $0x200  }
0x3d: {  	[sflag:s1] =	ssyncset.done $0x0  }
0x3e: {  	[sflag:s1] =	ssyncadd.s32 $0xFFFFFE00  }
0x3f: {  	_ =	swait.ge [sflag:s1], $0x200  }
0x40: {  	[sflag:s1] =	ssyncset.done $0x0  }
0x41: {  	[sflag:s1] =	ssyncadd.s32 $0xFFFFFE00  }
0x42: {  	_ =	swait.ge [sflag:s1], $0x200  }
0x43: {  	[sflag:s1] =	ssyncset.done $0x0  }
0x44: {  	[sflag:s1] =	ssyncadd.s32 $0xFFFFFE00  }
0x45: {  	_ =	swait.ge [sflag:s1], $0x200  }
0x46: {  	[sflag:s1] =	ssyncset.done $0x0  }
0x47: {  	[sflag:s1] =	ssyncadd.s32 $0xFFFFFE00  }
0x48: {  	_ =	swait.ge [sflag:s1], $0x200  }
0x49: {  	[sflag:s1] =	ssyncset.done $0x0  }
0x4a: {  	[sflag:s1] =	ssyncadd.s32 $0xFFFFFE00  }
0x4b: {  	_ =	swait.ge [sflag:s1], $0x200  }
0x4c: {  	[sflag:s1] =	ssyncset.done $0x0  }
0x4d: {  	[sflag:s1] =	ssyncadd.s32 $0xFFFFFE00  }
0x4e: {  	_ =	swait.ge [sflag:s1], $0x200  }
0x4f: {  	[sflag:s1] =	ssyncset.done $0x0  }
0x50: {  	[sflag:s1] =	ssyncadd.s32 $0xFFFFFE00  }
0x51: {  	_ =	swait.ge [sflag:s20], $0x200  }
0x52: {  	[sflag:s20] =	ssyncset.done $0x0  }
0x53: {  	s31 =	simm.s32 $0x1A00;
	[sflag:s20] =	ssyncadd.s32 $0xFFFFFE00  }
0x54: {  	[tilespmem:s31], [sflag:$0x1] =	stream.indirect.gather [hbm4b:s3+s24], $0x1, s2, s24, $0xb8;
	[tilespmem:$0x3600] =	vst v63  }
0x55: {  	s22 =	simm.s32 $0x2400  }
0x56: {  	[tilespmem:s22], [sflag:$0x2] =	stream.indirect.gather [hbm4b:s3+s23], $0x1, s24, s23, $0xb8;
	[tilespmem:$0x3600] =	vst v63  }
0x57: {  	_ =	swait.ge [sflag:s1], $0xA00  }
0x58: {  	[sflag:s1] =	ssyncset.done $0x0  }
0x59: {  	[sflag:s1] =	ssyncadd.s32 $0xFFFFF600  }
0x5a: {  	v0 =	vld [tilespmem:s31+$0x0]  }
0x5b: {  	s30 =	simm.s32 $0x3400;
	s0 =	simm.s32 $0x10;
	s21 =	simm.s32 $0x0;
	v1 =	vld [tilespmem:s25+$0x0]  }
.LBB2_2:
0x5c: {  	p0 =	sne.s32 s0, $0x1F0;
	s22 =	sand.u32 $0x1F0, s21;
	s21 =	smov.u32 s0  }
0x5d: {  	v2 =	vld [tilespmem:s22+$0x1C00];
	_ =	sdelay $0x1  }
0x5e: {  	v3 =	vld [tilespmem:s22+$0x1E00]  }
0x5f: {  	v0 =	vadd.f32 v0, v1  }
0x60: {  	v1 =	vld [tilespmem:s22+$0x2000]  }
0x61: {  	v0 =	vadd.f32 v2, v0  }
0x62: {  	v2 =	vld [tilespmem:s22+$0x2200]  }
0x63: {  	v0 =	vadd.f32 v3, v0;
	_ =	sdelay $0x1  }
0x64: {  	v0 =	vadd.f32 v1, v0;
	_ =	sdelay $0x1  }
.Ltmp0:
0x65: {  	v0 =	vadd.f32 v2, v0;
	(pc) =	sbr.rel @p0 .LBB2_2-.Ltmp0, $4  }
0x66: {  	_ = 	snop  }
0x67: {  	s31 =	sadd.s32 $0x10, s31;
	[tilespmem:s30+$0x0] =	vst v0  }
0x68: {  	s30 =	sadd.s32 $0x10, s30;
	v0 =	vld [tilespmem:s31+$0x0]  }
0x69: {  	s0 =	sadd.s32 $0x10, s0;
	v1 =	vld [tilespmem:s30+$0x0]  }
0x6a: {  	s0 =	sand.u32 $0x1F0, s21  }
0x6b: {  	v2 =	vld [tilespmem:s0+$0x1C00];
	_ =	sdelay $0x1  }
0x6c: {  	v3 =	vld [tilespmem:s0+$0x1E00]  }
0x6d: {  	v0 =	vadd.f32 v0, v1  }
0x6e: {  	v1 =	vld [tilespmem:s0+$0x2000]  }
0x6f: {  	v0 =	vadd.f32 v2, v0  }
0x70: {  	v2 =	vld [tilespmem:s0+$0x2200]  }
0x71: {  	v0 =	vadd.f32 v3, v0;
	_ =	sdelay $0x1  }
0x72: {  	v0 =	vadd.f32 v1, v0;
	_ =	sdelay $0x1  }
0x73: {  	v0 =	vadd.f32 v2, v0;
	_ =	sdelay $0x1  }
0x74: {  	s22 =	simm.s32 $0x2C00;
	[tilespmem:s30+$0x0] =	vst v0  }
0x75: {  	[tilespmem:s22], [sflag:$0x1] =	stream.indirect.gather [hbm4b:s3+s23], $0x1, s29, s23, $0xb8;
	[tilespmem:$0x3600] =	vst v63  }
0x76: {  	_ =	swait.ge [sflag:s20], $0x800  }
0x77: {  	s31 =	simm.s32 $0x0;
	[sflag:s20] =	ssyncset.done $0x0  }
0x78: {  	s21 =	sand.u32 $0x1F0, s31;
	[sflag:s20] =	ssyncadd.s32 $0xFFFFF800  }
0x79: {  	s0 =	simm.s32 $0x10;
	s30 =	simm.s32 $0x3400;
	v0 =	vld [tilespmem:s21+$0x2400]  }
.LBB2_4:
0x7a: {  	p0 =	sne.s32 s0, $0x1F0;
	v1 =	vld [tilespmem:s30+$0x0];
	_ =	sdelay $0x1  }
0x7b: {  	v2 =	vld [tilespmem:s21+$0x2600];
	_ =	sdelay $0x1  }
0x7c: {  	v3 =	vld [tilespmem:s21+$0x2800]  }
0x7d: {  	v0 =	vadd.f32 v0, v1  }
0x7e: {  	v1 =	vld [tilespmem:s21+$0x2A00]  }
0x7f: {  	v0 =	vadd.f32 v2, v0;
	_ =	sdelay $0x1  }
0x80: {  	v0 =	vadd.f32 v3, v0  }
.Ltmp1:
0x81: {  	(pc) =	sbr.rel @p0 .LBB2_4-.Ltmp1, $3  }
0x82: {  	v0 =	vadd.f32 v1, v0;
	_ =	sdelay $0x1  }
0x83: {  	s21 =	sand.u32 $0x1F0, s0;
	[tilespmem:s30+$0x0] =	vst v0  }
0x84: {  	s0 =	sadd.s32 $0x10, s0;
	s30 =	sadd.s32 $0x10, s30;
	v0 =	vld [tilespmem:s21+$0x2400]  }
0x85: {  	v1 =	vld [tilespmem:s30+$0x0];
	_ =	sdelay $0x1  }
0x86: {  	v2 =	vld [tilespmem:s21+$0x2600];
	_ =	sdelay $0x1  }
0x87: {  	v3 =	vld [tilespmem:s21+$0x2800]  }
0x88: {  	v0 =	vadd.f32 v0, v1  }
0x89: {  	v1 =	vld [tilespmem:s21+$0x2A00]  }
0x8a: {  	v0 =	vadd.f32 v2, v0;
	_ =	sdelay $0x1  }
0x8b: {  	v0 =	vadd.f32 v3, v0;
	_ =	sdelay $0x1  }
0x8c: {  	v0 =	vadd.f32 v1, v0;
	_ =	sdelay $0x1  }
0x8d: {  	[tilespmem:s30+$0x0] =	vst v0  }
0x8e: {  	_ =	swait.ge [sflag:s1], $0x800  }
0x8f: {  	s0 =	simm.s32 $0x0;
	[sflag:s1] =	ssyncset.done $0x0  }
0x90: {  	s21 =	sand.u32 $0x1F0, s0;
	[sflag:s1] =	ssyncadd.s32 $0xFFFFF800  }
0x91: {  	s0 =	simm.s32 $0x10;
	s30 =	simm.s32 $0x3400;
	v0 =	vld [tilespmem:s21+$0x2C00]  }
.LBB2_6:
0x92: {  	p0 =	sne.s32 s0, $0x1F0;
	v1 =	vld [tilespmem:s30+$0x0];
	_ =	sdelay $0x1  }
0x93: {  	v2 =	vld [tilespmem:s21+$0x2E00];
	_ =	sdelay $0x1  }
0x94: {  	v3 =	vld [tilespmem:s21+$0x3000]  }
0x95: {  	v0 =	vadd.f32 v0, v1  }
0x96: {  	v1 =	vld [tilespmem:s21+$0x3200]  }
0x97: {  	v0 =	vadd.f32 v2, v0;
	_ =	sdelay $0x1  }
0x98: {  	v0 =	vadd.f32 v3, v0  }
.Ltmp2:
0x99: {  	(pc) =	sbr.rel @p0 .LBB2_6-.Ltmp2, $3  }
0x9a: {  	v0 =	vadd.f32 v1, v0;
	_ =	sdelay $0x1  }
0x9b: {  	s21 =	sand.u32 $0x1F0, s0;
	[tilespmem:s30+$0x0] =	vst v0  }
0x9c: {  	s0 =	sadd.s32 $0x10, s0;
	s30 =	sadd.s32 $0x10, s30;
	v0 =	vld [tilespmem:s21+$0x2C00]  }
0x9d: {  	v1 =	vld [tilespmem:s30+$0x0];
	_ =	sdelay $0x1  }
0x9e: {  	v2 =	vld [tilespmem:s21+$0x2E00];
	_ =	sdelay $0x1  }
0x9f: {  	v3 =	vld [tilespmem:s21+$0x3000]  }
0xa0: {  	v0 =	vadd.f32 v0, v1  }
0xa1: {  	v63 =	vld [tilespmem:s21+$0x3200]  }
0xa2: {  	v0 =	vadd.f32 v2, v0;
	_ =	sdelay $0x1  }
0xa3: {  	v0 =	vadd.f32 v3, v0;
	_ =	sdelay $0x1  }
0xa4: {  	s28 =	sadd.s32 $0x1, s28;
	v0 =	vadd.f32 v63, v0  }
0xa5: {  	p0 =	sne.s32 s28, s19  }
.Ltmp3:
0xa6: {  	[tilespmem:s30+$0x0] =	vst v0;
	(pc) =	sbr.rel @p0 .LBB2_1-.Ltmp3, $4  }
0xa7: {  	[hbm4b:s18+s2] =	stream.linear.scatter [tilespmem:s25], [sflag:$0x3], $0x200, $0x38;
	[tilespmem:$0x3600] =	vst v63  }
0xa8: {  	_ =	swait.ge [sflag:s26], $0x200  }
0xa9: {  	[sflag:s26] =	ssyncset.done $0x0  }
0xaa: {  	[sflag:s26] =	ssyncadd.s32 $0xFFFFFE00  }
0xab: {  	_ =	sfence.sel $0x180000  }
0xac: {  	[bflag:$0x0] =	sbarrier.arrive $0xFFFF  }
0xad: {  	_ =	strace $0x9000004A  }
0xae: {  	s0 =	stileid.u32;
	[bflag:$0x2] =	sbarrier.arrive $0xFFFF  }
0xaf: {  	p0 =	sne.s32 s0, $0x0;
	s0 =	rddreg [dreg:$0x2]  }
0xb0: {  	s0 =	sadd.s32 @!p0 $0x100000, s0  }
0xb1: {  	[sflag:s0] =	ssyncadd.tile.s32 @!p0 $0x1;
	_ =	shalt  }
.Lfunc_end2:
_tile_overlayer_lowered:
.L_overlay_start_2:
0xb2: {  	(tag) =	ssettag $0x2  }
0xb3: {  	s0 =	rddreg [dreg:$0x0];
	s2 =	stileid.u32  }
0xb4: {  	s1 =	rddreg [dreg:$0x1];
	p0 =	sne.s32 s2, $0x0  }
0xb5: {  	s3 =	rddreg [dreg:$0x2];
	[bflag:$0x3] =	sbarrier.arrive $0xFFFF;
	s2 =	simm.s32 @!p0 $0x1C03  }
0xb6: {  	[timem:s3], [sflag:s2] =	dma.local @!p0 [hbm:s0], s1  }
0xb7: {  	s0 =	simm.s32 @!p0 $0x3  }
0xb8: {  	_ =	swait.ge @!p0 [sflag:s0], s1  }
0xb9: {  	s1 =	ssub.s32 @!p0 $0x0, s1;
	[sflag:s0] =	ssyncset.done @!p0 $0x0  }
0xba: {  	[sflag:s0] =	ssyncadd.s32 @!p0 s1  }
0xbb: {  	[bflag:$0x3] =	sbarrier.arrive $0xFFFF  }
0xbc: {  	_ =	shalt  }

</sc_bundles>
